<compile_context>
chip_gen: v7x
topology: tpu7x:2x2x1
jax: 0.10.2.dev20260603
libtpu: 0.0.44.dev20260713+nightly
codegen_flags: <defaults>
</compile_context>

<pallas_src>
import jax
import jax.numpy as jnp
import numpy as np
from jax import lax
from jax.experimental import pallas as pl
from jax.experimental.pallas import tpu as pltpu
from jax.experimental.pallas import tpu_sc as plsc

ROWS = 128
N = 100000
POWER = np.float32(0.1)

NC, NS = 2, 16
NW = NC * NS
CR = 200
CHUNKS = N // CR
CWORDS = CR * ROWS
FULLW = 20
NT_HI = 16
NT_LO = 15

_PERM = np.array([
    121, 35, 45, 99, 31, 112, 85, 63, 117, 114, 82, 65, 7, 4, 101, 102,
    78, 29, 108, 83, 44, 16, 58, 123, 37, 111, 19, 61, 2, 34, 5, 90,
    110, 72, 30, 42, 3, 70, 67, 39, 56, 69, 80, 22, 6, 118, 54, 77,
    18, 10, 11, 53, 94, 32, 15, 49, 50, 20, 43, 92, 8, 24, 81, 96,
    106, 9, 40, 71, 93, 59, 75, 97, 66, 25, 73, 13, 52, 88, 62, 87,
    76, 60, 47, 33, 79, 14, 17, 38, 86, 23, 105, 0, 41, 64, 21, 124,
    116, 26, 57, 89, 126, 125, 1, 115, 28, 113, 48, 36, 119, 120, 122, 100,
    91, 55, 103, 51, 127, 98, 107, 27, 74, 12, 109, 84, 68, 104, 95, 46,
], dtype=np.int32)
_PMATT = np.zeros((ROWS, ROWS), dtype=np.float32)
_PMATT[_PERM, np.arange(ROWS)] = 1.0



_RB = 10000
_RG = N // _RB


def _corr_body(xt_ref, pmat_ref, out_ref, acc_ref):
    j = pl.program_id(0)

    @pl.when(j == 0)
    def _():
        acc_ref[...] = jnp.zeros_like(acc_ref)

    acc_ref[...] += jnp.sum(xt_ref[...], axis=0, keepdims=True)

    @pl.when(j == _RG - 1)
    def _():
        permuted = jnp.dot(acc_ref[...], pmat_ref[...],
                           preferred_element_type=jnp.float32)
        out_ref[...] = jnp.broadcast_to(permuted * np.float32(POWER / N),
                                        (8, ROWS))


def _corrections(xt):
    return pl.pallas_call(
        _corr_body,
        grid=(_RG,),
        in_specs=[pl.BlockSpec((_RB, ROWS), lambda j: (j, 0)),
                  pl.BlockSpec((ROWS, ROWS), lambda j: (0, 0))],
        out_specs=pl.BlockSpec((8, ROWS), lambda j: (0, 0)),
        out_shape=jax.ShapeDtypeStruct((8, ROWS), jnp.float32),
        scratch_shapes=[pltpu.VMEM((1, ROWS), jnp.float32)],
    )(xt, jnp.asarray(_PMATT))



def _sc_body(xt_hbm, corr_hbm, perm_hbm, out_hbm,
             permv, corr_v, blk0, blk1, ob0, ob1, si0, si1, so0, so1):
    c = lax.axis_index("c")
    s = lax.axis_index("s")
    w = s * NC + c
    pltpu.sync_copy(perm_hbm, permv)
    pltpu.sync_copy(corr_hbm, corr_v)

    pidx = [permv[pl.ds(16 * g, 16)] for g in range(8)]
    cks = [corr_v[0, pl.ds(16 * g, 16)] for g in range(8)]

    blk = (blk0, blk1)
    ob = (ob0, ob1)
    sis = (si0, si1)
    sos = (so0, so1)
    nt = jnp.where(w < FULLW, NT_HI, NT_LO)

    def _src(t):
        return xt_hbm.at[pl.ds((w + NW * t) * CWORDS, CWORDS)]

    def _dst(t):
        return out_hbm.at[pl.ds((w + NW * t) * CWORDS, CWORDS)]

    def _chunk(t, b):
        pltpu.make_async_copy(_src(t), blk[b], sis[b]).wait()

        @pl.when(t >= 1)
        def _():
            pltpu.make_async_copy(ob[1 - b], _dst(t - 1), sos[1 - b]).wait()

        @pl.when(t <= nt - 2)
        def _():
            pltpu.async_copy(_src(t + 1), blk[1 - b], sis[1 - b])

        def _cmb(r, _, _b=b):
            base = r * (2 * ROWS)
            offs = [base + (g >> 3) * ROWS + (g & 7) * 16 for g in range(16)]
            nzs = [plsc.load_gather(blk[_b],
                                    [base + (g >> 3) * ROWS + pidx[g & 7]])
                   for g in range(16)]
            xs = [blk[_b][pl.ds(offs[g], 16)] for g in range(16)]
            res = [xs[g] + POWER * nzs[g] - cks[g & 7] for g in range(16)]
            for g in range(16):
                ob[_b][pl.ds(offs[g], 16)] = res[g]
            return 0

        lax.fori_loop(0, CR // 2, _cmb, 0)
        pltpu.async_copy(ob[b], _dst(t), sos[b])

    def _body(t, _):
        pl.when(t % 2 == 0)(lambda: _chunk(t, 0))
        pl.when(t % 2 == 1)(lambda: _chunk(t, 1))
        return 0

    pltpu.async_copy(_src(0), blk[0], sis[0])
    lax.fori_loop(0, nt, _body, 0)

    @pl.when(w < FULLW)
    def _():
        pltpu.make_async_copy(ob[(NT_HI - 1) % 2], _dst(NT_HI - 1),
                              sos[(NT_HI - 1) % 2]).wait()

    @pl.when(w >= FULLW)
    def _():
        pltpu.make_async_copy(ob[(NT_LO - 1) % 2], _dst(NT_LO - 1),
                              sos[(NT_LO - 1) % 2]).wait()


def _sc_combine(xt_flat, corrw, perm):
    fn = pl.kernel(
        _sc_body,
        out_type=jax.ShapeDtypeStruct((N * ROWS,), jnp.float32),
        mesh=plsc.VectorSubcoreMesh(core_axis_name="c", subcore_axis_name="s"),
        scratch_types=[
            pltpu.VMEM((ROWS,), jnp.int32),
            pltpu.VMEM((8, ROWS), jnp.float32),
            pltpu.VMEM((CWORDS,), jnp.float32),
            pltpu.VMEM((CWORDS,), jnp.float32),
            pltpu.VMEM((CWORDS,), jnp.float32),
            pltpu.VMEM((CWORDS,), jnp.float32),
            pltpu.SemaphoreType.DMA,
            pltpu.SemaphoreType.DMA,
            pltpu.SemaphoreType.DMA,
            pltpu.SemaphoreType.DMA,
        ],
        compiler_params=pltpu.CompilerParams(
            use_tc_tiling_on_sc=True, needs_layout_passes=False),
    )
    return fn(xt_flat, corrw, perm)


@jax.jit
def _emix_noise(inpute, perm):
    xt = inpute.T
    corrw = _corrections(xt)
    out_flat = _sc_combine(jnp.reshape(xt, (-1,)), corrw, perm)
    return jnp.reshape(out_flat, (N, ROWS)).T


def kernel(inpute):
    return _emix_noise(inpute, jnp.asarray(_PERM))

# --- scband reference (transcript-rebuilt; emitter-appended) ---
"""Pipeline reference for scband-emix-noiser-52192442581872 (READ-ONLY COPY).

The authoritative reference and input builder live on the scoring server;
editing this copy changes nothing except your own understanding.
"""

import jax, jax.numpy as jnp
import numpy as np

POWER = 0.1
DIM = -1

def setup_inputs(seed: int = 0) -> dict:
    key = jax.random.key(seed)
    inpute = jax.random.normal(key, (128, 100000), dtype=jnp.float32)
    return {"inpute": inpute}

def reference(inpute):
    # Training-mode forward of EMixNoiser (module defaults to training=True).
    # get_noise: permute the leading rows of inpute (flattened over all but last dim).
    # torch.randperm is stochastic; we use a deterministic permutation with a fixed key.
    flat = inpute.reshape(-1, inpute.shape[-1])
    n = flat.shape[0]
    perm = jax.random.permutation(jax.random.key(42), n)
    noise = jnp.take(flat, perm, axis=0).reshape(inpute.shape)
    # get_zero_mean_noise: subtract mean along self.dim
    noise = noise - jnp.mean(noise, axis=DIM, keepdims=True)
    # inpute.add(noise, alpha=power)
    return inpute + POWER * noise

if __name__ == "__main__":
    import jax
    _d = setup_inputs()
    print(jax.jit(kernel)(*tuple(_d.values())))

</pallas_src>

<mosaic_0001>
#map = affine_map<(d0, d1) -> (0)>
#map1 = affine_map<(d0, d1) -> (0, 0)>
module attributes {stable_mosaic.version = 14 : i64} {
  func.func @_sc_body(%arg0: i32, %arg1: i32, %arg2: memref<12800000xf32, #tpu.memory_space<hbm>>, %arg3: memref<8x128xf32, #tpu.memory_space<hbm>>, %arg4: memref<128xi32, #tpu.memory_space<hbm>>, %arg5: memref<12800000xf32, #tpu.memory_space<hbm>>, %arg6: memref<128xi32, #tpu.memory_space<vmem>>, %arg7: memref<8x128xf32, #tpu.memory_space<vmem>>, %arg8: memref<25600xf32, #tpu.memory_space<vmem>>, %arg9: memref<25600xf32, #tpu.memory_space<vmem>>, %arg10: memref<25600xf32, #tpu.memory_space<vmem>>, %arg11: memref<25600xf32, #tpu.memory_space<vmem>>, %arg12: memref<!tpu.dma_semaphore, #tpu.memory_space<semaphore_mem>>, %arg13: memref<!tpu.dma_semaphore, #tpu.memory_space<semaphore_mem>>, %arg14: memref<!tpu.dma_semaphore, #tpu.memory_space<semaphore_mem>>, %arg15: memref<!tpu.dma_semaphore, #tpu.memory_space<semaphore_mem>>) attributes {dimension_semantics = [#tpu.dimension_semantics<core_parallel>, #tpu.dimension_semantics<subcore_parallel>], iteration_bounds = array<i64: 2, 16>, scalar_prefetch = 0 : i64, scratch_operands = 10 : i64, tpu.core_type = #tpu.core_type<sc_vector_subcore>, window_params = [{transform_indices = #map}, {transform_indices = #map1}, {transform_indices = #map}, {transform_indices = #map}]} {
    %mul3A = arith.constant 2 : i32
    %mul3A_0 = arith.muli %arg1, %mul3A : i32
    %add3A = arith.addi %mul3A_0, %arg0 : i32
    "tpu.region"() ({
      %run_scoped3A = tpu.sem_alloc : memref<!tpu.dma_semaphore, #tpu.memory_space<semaphore_mem>>
      tpu.enqueue_dma source(%arg4 : memref<128xi32, #tpu.memory_space<hbm>>) target(%arg6 : memref<128xi32, #tpu.memory_space<vmem>>) target_semaphore(%run_scoped3A : memref<!tpu.dma_semaphore, #tpu.memory_space<semaphore_mem>>)
      tpu.wait_dma2 semaphore(%run_scoped3A : memref<!tpu.dma_semaphore, #tpu.memory_space<semaphore_mem>>) src(%arg4 : memref<128xi32, #tpu.memory_space<hbm>>) dst(%arg6 : memref<128xi32, #tpu.memory_space<vmem>>)
      tpu.yield
    }) : () -> ()
    "tpu.region"() ({
      %run_scoped3A = tpu.sem_alloc : memref<!tpu.dma_semaphore, #tpu.memory_space<semaphore_mem>>
      tpu.enqueue_dma source(%arg3 : memref<8x128xf32, #tpu.memory_space<hbm>>) target(%arg7 : memref<8x128xf32, #tpu.memory_space<vmem>>) target_semaphore(%run_scoped3A : memref<!tpu.dma_semaphore, #tpu.memory_space<semaphore_mem>>)
      tpu.wait_dma2 semaphore(%run_scoped3A : memref<!tpu.dma_semaphore, #tpu.memory_space<semaphore_mem>>) src(%arg3 : memref<8x128xf32, #tpu.memory_space<hbm>>) dst(%arg7 : memref<8x128xf32, #tpu.memory_space<vmem>>)
      tpu.yield
    }) : () -> ()
    %get3A = arith.constant 0 : index
    %get3A_1 = tpu.vector_load %arg6[%get3A] {strides = array<i32>} : memref<128xi32, #tpu.memory_space<vmem>>, vector<16xi32>,
    %get3A_2 = arith.constant 16 : index
    %get3A_3 = tpu.vector_load %arg6[%get3A_2] {strides = array<i32>} : memref<128xi32, #tpu.memory_space<vmem>>, vector<16xi32>,
    %get3A_4 = arith.constant 32 : index
    %get3A_5 = tpu.vector_load %arg6[%get3A_4] {strides = array<i32>} : memref<128xi32, #tpu.memory_space<vmem>>, vector<16xi32>,
    %get3A_6 = arith.constant 48 : index
    %get3A_7 = tpu.vector_load %arg6[%get3A_6] {strides = array<i32>} : memref<128xi32, #tpu.memory_space<vmem>>, vector<16xi32>,
    %get3A_8 = arith.constant 64 : index
    %get3A_9 = tpu.vector_load %arg6[%get3A_8] {strides = array<i32>} : memref<128xi32, #tpu.memory_space<vmem>>, vector<16xi32>,
    %get3A_10 = arith.constant 80 : index
    %get3A_11 = tpu.vector_load %arg6[%get3A_10] {strides = array<i32>} : memref<128xi32, #tpu.memory_space<vmem>>, vector<16xi32>,
    %get3A_12 = arith.constant 96 : index
    %get3A_13 = tpu.vector_load %arg6[%get3A_12] {strides = array<i32>} : memref<128xi32, #tpu.memory_space<vmem>>, vector<16xi32>,
    %get3A_14 = arith.constant 112 : index
    %get3A_15 = tpu.vector_load %arg6[%get3A_14] {strides = array<i32>} : memref<128xi32, #tpu.memory_space<vmem>>, vector<16xi32>,
    %get3A_16 = arith.constant 0 : i32
    %get3A_17 = arith.index_cast %get3A_16 : i32 to index
    %get3A_18 = arith.constant 0 : index
    %get3A_19 = tpu.vector_load %arg7[%get3A_17, %get3A_18] {strides = array<i32>} : memref<8x128xf32, #tpu.memory_space<vmem>>, vector<16xf32>,
    %get3A_20 = arith.constant 0 : i32
    %get3A_21 = arith.index_cast %get3A_20 : i32 to index
    %get3A_22 = arith.constant 16 : index
    %get3A_23 = tpu.vector_load %arg7[%get3A_21, %get3A_22] {strides = array<i32>} : memref<8x128xf32, #tpu.memory_space<vmem>>, vector<16xf32>,
    %get3A_24 = arith.constant 0 : i32
    %get3A_25 = arith.index_cast %get3A_24 : i32 to index
    %get3A_26 = arith.constant 32 : index
    %get3A_27 = tpu.vector_load %arg7[%get3A_25, %get3A_26] {strides = array<i32>} : memref<8x128xf32, #tpu.memory_space<vmem>>, vector<16xf32>,
    %get3A_28 = arith.constant 0 : i32
    %get3A_29 = arith.index_cast %get3A_28 : i32 to index
    %get3A_30 = arith.constant 48 : index
    %get3A_31 = tpu.vector_load %arg7[%get3A_29, %get3A_30] {strides = array<i32>} : memref<8x128xf32, #tpu.memory_space<vmem>>, vector<16xf32>,
    %get3A_32 = arith.constant 0 : i32
    %get3A_33 = arith.index_cast %get3A_32 : i32 to index
    %get3A_34 = arith.constant 64 : index
    %get3A_35 = tpu.vector_load %arg7[%get3A_33, %get3A_34] {strides = array<i32>} : memref<8x128xf32, #tpu.memory_space<vmem>>, vector<16xf32>,
    %get3A_36 = arith.constant 0 : i32
    %get3A_37 = arith.index_cast %get3A_36 : i32 to index
    %get3A_38 = arith.constant 80 : index
    %get3A_39 = tpu.vector_load %arg7[%get3A_37, %get3A_38] {strides = array<i32>} : memref<8x128xf32, #tpu.memory_space<vmem>>, vector<16xf32>,
    %get3A_40 = arith.constant 0 : i32
    %get3A_41 = arith.index_cast %get3A_40 : i32 to index
    %get3A_42 = arith.constant 96 : index
    %get3A_43 = tpu.vector_load %arg7[%get3A_41, %get3A_42] {strides = array<i32>} : memref<8x128xf32, #tpu.memory_space<vmem>>, vector<16xf32>,
    %get3A_44 = arith.constant 0 : i32
    %get3A_45 = arith.index_cast %get3A_44 : i32 to index
    %get3A_46 = arith.constant 112 : index
    %get3A_47 = tpu.vector_load %arg7[%get3A_45, %get3A_46] {strides = array<i32>} : memref<8x128xf32, #tpu.memory_space<vmem>>, vector<16xf32>,
    %lt3A = arith.constant 20 : i32
    %lt3A_48 = arith.cmpi slt, %add3A, %lt3A : i32
    %jit3A = arith.constant 16 : i32
    %jit3A_49 = arith.constant 15 : i32
    %select_n3A = arith.select %lt3A_48, %jit3A, %jit3A_49 : i32
    %add3A_50 = arith.constant 0 : i32
    %add3A_51 = arith.addi %add3A, %add3A_50 : i32
    %mul3A_52 = arith.constant 25600 : i32
    %mul3A_53 = arith.muli %add3A_51, %mul3A_52 : i32
    %dma_start3A = tpu.memref_slice %arg2[%mul3A_53] : memref<12800000xf32, #tpu.memory_space<hbm>> -> memref<25600xf32, #tpu.memory_space<hbm>>
    %dma_start3A_54 = tpu.memref_slice %arg2[%mul3A_53] : memref<12800000xf32, #tpu.memory_space<hbm>> -> memref<25600xf32, #tpu.memory_space<hbm>>
    tpu.enqueue_dma source(%dma_start3A_54 : memref<25600xf32, #tpu.memory_space<hbm>>) target(%arg8 : memref<25600xf32, #tpu.memory_space<vmem>>) target_semaphore(%arg12 : memref<!tpu.dma_semaphore, #tpu.memory_space<semaphore_mem>>)
    %while3A = arith.constant 0 : i32
    %while3A_55 = arith.constant 0 : i32
    %while3A_56 = arith.subi %select_n3A, %while3A : i32
    %while3A_57 = arith.addi %while3A, %while3A_56 : i32
    %while3A_58 = arith.constant 1 : i32
    %while3A_59 = arith.divsi %while3A_56, %while3A_58 : i32
    %while3A_60 = arith.muli %while3A_59, %while3A_58 : i32
    %while3A_61 = arith.addi %while3A, %while3A_60 : i32
    %while3A_62 = arith.constant 1 : i32
    %while3A_63 = scf.for %while3A_73 = %while3A to %while3A_61 step %while3A_62 iter_args(%while3A_74 = %while3A_55) -> (i32)  : i32 {
      %jit3A_75 = arith.constant 2 : i32
      %eq3A = arith.constant 0 : i32
      %eq3A_76 = arith.cmpi eq, %jit3A_75, %eq3A : i32
      %jit3A_77 = arith.constant 1 : i32
      %select_n3A_78 = arith.select %eq3A_76, %jit3A_77, %jit3A_75 : i32
      %rem3A = arith.remsi %while3A_73, %select_n3A_78 : i32
      %ne3A = arith.constant 0 : i32
      %ne3A_79 = arith.cmpi ne, %rem3A, %ne3A : i32
      %lt3A_80 = arith.constant 0 : i32
      %lt3A_81 = arith.cmpi slt, %rem3A, %lt3A_80 : i32
      %lt3A_82 = arith.constant 0 : i32
      %lt3A_83 = arith.cmpi slt, %select_n3A_78, %lt3A_82 : i32
      %ne3A_84 = arith.xori %lt3A_81, %lt3A_83 : i1
      %and3A = arith.andi %ne3A_84, %ne3A_79 : i1
      %add3A_85 = arith.addi %rem3A, %select_n3A_78 : i32
      %select_n3A_86 = arith.select %and3A, %add3A_85, %rem3A : i32
      %eq3A_87 = arith.constant 0 : i32
      %eq3A_88 = arith.cmpi eq, %select_n3A_86, %eq3A_87 : i32
      %convert_element_type3A_89 = arith.extui %eq3A_88 : i1 to i32
      %cond3A_90 = arith.constant 0 : i32
      %cond3A_91 = arith.cmpi ne, %convert_element_type3A_89, %cond3A_90 : i32
      scf.if %cond3A_91 {
        %mul3A_114 = arith.constant 32 : i32
        %mul3A_115 = arith.muli %mul3A_114, %while3A_73 : i32
        %add3A_116 = arith.addi %add3A, %mul3A_115 : i32
        %mul3A_117 = arith.constant 25600 : i32
        %mul3A_118 = arith.muli %add3A_116, %mul3A_117 : i32
        %dma_wait3A = tpu.memref_slice %arg2[%mul3A_118] : memref<12800000xf32, #tpu.memory_space<hbm>> -> memref<25600xf32, #tpu.memory_space<hbm>>
        %dma_wait3A_119 = tpu.memref_slice %arg2[%mul3A_118] : memref<12800000xf32, #tpu.memory_space<hbm>> -> memref<25600xf32, #tpu.memory_space<hbm>>
        tpu.wait_dma2 semaphore(%arg12 : memref<!tpu.dma_semaphore, #tpu.memory_space<semaphore_mem>>) src(%dma_wait3A_119 : memref<25600xf32, #tpu.memory_space<hbm>>) dst(%arg8 : memref<25600xf32, #tpu.memory_space<vmem>>)
        %ge3A_120 = arith.constant 1 : i32
        %ge3A_121 = arith.cmpi sge, %while3A_73, %ge3A_120 : i32
        %convert_element_type3A_122 = arith.extui %ge3A_121 : i1 to i32
        %cond3A_123 = arith.constant 0 : i32
        %cond3A_124 = arith.cmpi ne, %convert_element_type3A_122, %cond3A_123 : i32
        scf.if %cond3A_124 {
          %sub3A_142 = arith.constant 1 : i32
          %sub3A_143 = arith.subi %while3A_73, %sub3A_142 : i32
          %mul3A_144 = arith.constant 32 : i32
          %mul3A_145 = arith.muli %mul3A_144, %sub3A_143 : i32
          %add3A_146 = arith.addi %add3A, %mul3A_145 : i32
          %mul3A_147 = arith.constant 25600 : i32
          %mul3A_148 = arith.muli %add3A_146, %mul3A_147 : i32
          %dma_wait3A_149 = tpu.memref_slice %arg5[%mul3A_148] : memref<12800000xf32, #tpu.memory_space<hbm>> -> memref<25600xf32, #tpu.memory_space<hbm>>
          %dma_wait3A_150 = tpu.memref_slice %arg5[%mul3A_148] : memref<12800000xf32, #tpu.memory_space<hbm>> -> memref<25600xf32, #tpu.memory_space<hbm>>
          tpu.wait_dma2 semaphore(%arg15 : memref<!tpu.dma_semaphore, #tpu.memory_space<semaphore_mem>>) src(%arg11 : memref<25600xf32, #tpu.memory_space<vmem>>) dst(%dma_wait3A_150 : memref<25600xf32, #tpu.memory_space<hbm>>)
        } else {
        }
        %sub3A = arith.constant 2 : i32
        %sub3A_125 = arith.subi %select_n3A, %sub3A : i32
        %le3A = arith.cmpi sle, %while3A_73, %sub3A_125 : i32
        %convert_element_type3A_126 = arith.extui %le3A : i1 to i32
        %cond3A_127 = arith.constant 0 : i32
        %cond3A_128 = arith.cmpi ne, %convert_element_type3A_126, %cond3A_127 : i32
        scf.if %cond3A_128 {
          %add3A_142 = arith.constant 1 : i32
          %add3A_143 = arith.addi %while3A_73, %add3A_142 : i32
          %mul3A_144 = arith.constant 32 : i32
          %mul3A_145 = arith.muli %mul3A_144, %add3A_143 : i32
          %add3A_146 = arith.addi %add3A, %mul3A_145 : i32
          %mul3A_147 = arith.constant 25600 : i32
          %mul3A_148 = arith.muli %add3A_146, %mul3A_147 : i32
          %dma_start3A_149 = tpu.memref_slice %arg2[%mul3A_148] : memref<12800000xf32, #tpu.memory_space<hbm>> -> memref<25600xf32, #tpu.memory_space<hbm>>
          %dma_start3A_150 = tpu.memref_slice %arg2[%mul3A_148] : memref<12800000xf32, #tpu.memory_space<hbm>> -> memref<25600xf32, #tpu.memory_space<hbm>>
          tpu.enqueue_dma source(%dma_start3A_150 : memref<25600xf32, #tpu.memory_space<hbm>>) target(%arg9 : memref<25600xf32, #tpu.memory_space<vmem>>) target_semaphore(%arg13 : memref<!tpu.dma_semaphore, #tpu.memory_space<semaphore_mem>>)
        } else {
        }
        %scan3A = arith.constant 0 : i32
        %scan3A_129 = arith.constant 0 : i32
        %scan3A_130 = arith.constant 100 : i32
        %scan3A_131 = arith.addi %scan3A_129, %scan3A_130 : i32
        %scan3A_132 = arith.constant 1 : i32
        %scan3A_133 = scf.for %scan3A_142 = %scan3A_129 to %scan3A_131 step %scan3A_132 iter_args(%scan3A_143 = %scan3A) -> (i32)  : i32 {
          %mul3A_144 = arith.constant 256 : i32
          %mul3A_145 = arith.muli %scan3A_142, %mul3A_144 : i32
          %add3A_146 = arith.constant 0 : i32
          %add3A_147 = arith.addi %mul3A_145, %add3A_146 : i32
          %add3A_148 = arith.constant 0 : i32
          %add3A_149 = arith.addi %add3A_147, %add3A_148 : i32
          %add3A_150 = arith.constant 0 : i32
          %add3A_151 = arith.addi %mul3A_145, %add3A_150 : i32
          %add3A_152 = arith.constant 16 : i32
          %add3A_153 = arith.addi %add3A_151, %add3A_152 : i32
          %add3A_154 = arith.constant 0 : i32
          %add3A_155 = arith.addi %mul3A_145, %add3A_154 : i32
          %add3A_156 = arith.constant 32 : i32
          %add3A_157 = arith.addi %add3A_155, %add3A_156 : i32
          %add3A_158 = arith.constant 0 : i32
          %add3A_159 = arith.addi %mul3A_145, %add3A_158 : i32
          %add3A_160 = arith.constant 48 : i32
          %add3A_161 = arith.addi %add3A_159, %add3A_160 : i32
          %add3A_162 = arith.constant 0 : i32
          %add3A_163 = arith.addi %mul3A_145, %add3A_162 : i32
          %add3A_164 = arith.constant 64 : i32
          %add3A_165 = arith.addi %add3A_163, %add3A_164 : i32
          %add3A_166 = arith.constant 0 : i32
          %add3A_167 = arith.addi %mul3A_145, %add3A_166 : i32
          %add3A_168 = arith.constant 80 : i32
          %add3A_169 = arith.addi %add3A_167, %add3A_168 : i32
          %add3A_170 = arith.constant 0 : i32
          %add3A_171 = arith.addi %mul3A_145, %add3A_170 : i32
          %add3A_172 = arith.constant 96 : i32
          %add3A_173 = arith.addi %add3A_171, %add3A_172 : i32
          %add3A_174 = arith.constant 0 : i32
          %add3A_175 = arith.addi %mul3A_145, %add3A_174 : i32
          %add3A_176 = arith.constant 112 : i32
          %add3A_177 = arith.addi %add3A_175, %add3A_176 : i32
          %add3A_178 = arith.constant 128 : i32
          %add3A_179 = arith.addi %mul3A_145, %add3A_178 : i32
          %add3A_180 = arith.constant 0 : i32
          %add3A_181 = arith.addi %add3A_179, %add3A_180 : i32
          %add3A_182 = arith.constant 128 : i32
          %add3A_183 = arith.addi %mul3A_145, %add3A_182 : i32
          %add3A_184 = arith.constant 16 : i32
          %add3A_185 = arith.addi %add3A_183, %add3A_184 : i32
          %add3A_186 = arith.constant 128 : i32
          %add3A_187 = arith.addi %mul3A_145, %add3A_186 : i32
          %add3A_188 = arith.constant 32 : i32
          %add3A_189 = arith.addi %add3A_187, %add3A_188 : i32
          %add3A_190 = arith.constant 128 : i32
          %add3A_191 = arith.addi %mul3A_145, %add3A_190 : i32
          %add3A_192 = arith.constant 48 : i32
          %add3A_193 = arith.addi %add3A_191, %add3A_192 : i32
          %add3A_194 = arith.constant 128 : i32
          %add3A_195 = arith.addi %mul3A_145, %add3A_194 : i32
          %add3A_196 = arith.constant 64 : i32
          %add3A_197 = arith.addi %add3A_195, %add3A_196 : i32
          %add3A_198 = arith.constant 128 : i32
          %add3A_199 = arith.addi %mul3A_145, %add3A_198 : i32
          %add3A_200 = arith.constant 80 : i32
          %add3A_201 = arith.addi %add3A_199, %add3A_200 : i32
          %add3A_202 = arith.constant 128 : i32
          %add3A_203 = arith.addi %mul3A_145, %add3A_202 : i32
          %add3A_204 = arith.constant 96 : i32
          %add3A_205 = arith.addi %add3A_203, %add3A_204 : i32
          %add3A_206 = arith.constant 128 : i32
          %add3A_207 = arith.addi %mul3A_145, %add3A_206 : i32
          %add3A_208 = arith.constant 112 : i32
          %add3A_209 = arith.addi %add3A_207, %add3A_208 : i32
          %add3A_210 = arith.constant 0 : i32
          %add3A_211 = arith.addi %mul3A_145, %add3A_210 : i32
          %add3A_212 = vector.broadcast %add3A_211 : i32 to vector<16xi32>
          %add3A_213 = arith.addi %add3A_212, %get3A_1 : vector<16xi32>
          %gather3A = tpu.vector_load_idx %arg8[%add3A_213] : memref<25600xf32, #tpu.memory_space<vmem>>[vector<16xi32>], vector<16xf32>,
          %add3A_214 = arith.constant 0 : i32
          %add3A_215 = arith.addi %mul3A_145, %add3A_214 : i32
          %add3A_216 = vector.broadcast %add3A_215 : i32 to vector<16xi32>
          %add3A_217 = arith.addi %add3A_216, %get3A_3 : vector<16xi32>
          %gather3A_218 = tpu.vector_load_idx %arg8[%add3A_217] : memref<25600xf32, #tpu.memory_space<vmem>>[vector<16xi32>], vector<16xf32>,
          %add3A_219 = arith.constant 0 : i32
          %add3A_220 = arith.addi %mul3A_145, %add3A_219 : i32
          %add3A_221 = vector.broadcast %add3A_220 : i32 to vector<16xi32>
          %add3A_222 = arith.addi %add3A_221, %get3A_5 : vector<16xi32>
          %gather3A_223 = tpu.vector_load_idx %arg8[%add3A_222] : memref<25600xf32, #tpu.memory_space<vmem>>[vector<16xi32>], vector<16xf32>,
          %add3A_224 = arith.constant 0 : i32
          %add3A_225 = arith.addi %mul3A_145, %add3A_224 : i32
          %add3A_226 = vector.broadcast %add3A_225 : i32 to vector<16xi32>
          %add3A_227 = arith.addi %add3A_226, %get3A_7 : vector<16xi32>
          %gather3A_228 = tpu.vector_load_idx %arg8[%add3A_227] : memref<25600xf32, #tpu.memory_space<vmem>>[vector<16xi32>], vector<16xf32>,
          %add3A_229 = arith.constant 0 : i32
          %add3A_230 = arith.addi %mul3A_145, %add3A_229 : i32
          %add3A_231 = vector.broadcast %add3A_230 : i32 to vector<16xi32>
          %add3A_232 = arith.addi %add3A_231, %get3A_9 : vector<16xi32>
          %gather3A_233 = tpu.vector_load_idx %arg8[%add3A_232] : memref<25600xf32, #tpu.memory_space<vmem>>[vector<16xi32>], vector<16xf32>,
          %add3A_234 = arith.constant 0 : i32
          %add3A_235 = arith.addi %mul3A_145, %add3A_234 : i32
          %add3A_236 = vector.broadcast %add3A_235 : i32 to vector<16xi32>
          %add3A_237 = arith.addi %add3A_236, %get3A_11 : vector<16xi32>
          %gather3A_238 = tpu.vector_load_idx %arg8[%add3A_237] : memref<25600xf32, #tpu.memory_space<vmem>>[vector<16xi32>], vector<16xf32>,
          %add3A_239 = arith.constant 0 : i32
          %add3A_240 = arith.addi %mul3A_145, %add3A_239 : i32
          %add3A_241 = vector.broadcast %add3A_240 : i32 to vector<16xi32>
          %add3A_242 = arith.addi %add3A_241, %get3A_13 : vector<16xi32>
          %gather3A_243 = tpu.vector_load_idx %arg8[%add3A_242] : memref<25600xf32, #tpu.memory_space<vmem>>[vector<16xi32>], vector<16xf32>,
          %add3A_244 = arith.constant 0 : i32
          %add3A_245 = arith.addi %mul3A_145, %add3A_244 : i32
          %add3A_246 = vector.broadcast %add3A_245 : i32 to vector<16xi32>
          %add3A_247 = arith.addi %add3A_246, %get3A_15 : vector<16xi32>
          %gather3A_248 = tpu.vector_load_idx %arg8[%add3A_247] : memref<25600xf32, #tpu.memory_space<vmem>>[vector<16xi32>], vector<16xf32>,
          %add3A_249 = arith.constant 128 : i32
          %add3A_250 = arith.addi %mul3A_145, %add3A_249 : i32
          %add3A_251 = vector.broadcast %add3A_250 : i32 to vector<16xi32>
          %add3A_252 = arith.addi %add3A_251, %get3A_1 : vector<16xi32>
          %gather3A_253 = tpu.vector_load_idx %arg8[%add3A_252] : memref<25600xf32, #tpu.memory_space<vmem>>[vector<16xi32>], vector<16xf32>,
          %add3A_254 = arith.constant 128 : i32
          %add3A_255 = arith.addi %mul3A_145, %add3A_254 : i32
          %add3A_256 = vector.broadcast %add3A_255 : i32 to vector<16xi32>
          %add3A_257 = arith.addi %add3A_256, %get3A_3 : vector<16xi32>
          %gather3A_258 = tpu.vector_load_idx %arg8[%add3A_257] : memref<25600xf32, #tpu.memory_space<vmem>>[vector<16xi32>], vector<16xf32>,
          %add3A_259 = arith.constant 128 : i32
          %add3A_260 = arith.addi %mul3A_145, %add3A_259 : i32
          %add3A_261 = vector.broadcast %add3A_260 : i32 to vector<16xi32>
          %add3A_262 = arith.addi %add3A_261, %get3A_5 : vector<16xi32>
          %gather3A_263 = tpu.vector_load_idx %arg8[%add3A_262] : memref<25600xf32, #tpu.memory_space<vmem>>[vector<16xi32>], vector<16xf32>,
          %add3A_264 = arith.constant 128 : i32
          %add3A_265 = arith.addi %mul3A_145, %add3A_264 : i32
          %add3A_266 = vector.broadcast %add3A_265 : i32 to vector<16xi32>
          %add3A_267 = arith.addi %add3A_266, %get3A_7 : vector<16xi32>
          %gather3A_268 = tpu.vector_load_idx %arg8[%add3A_267] : memref<25600xf32, #tpu.memory_space<vmem>>[vector<16xi32>], vector<16xf32>,
          %add3A_269 = arith.constant 128 : i32
          %add3A_270 = arith.addi %mul3A_145, %add3A_269 : i32
          %add3A_271 = vector.broadcast %add3A_270 : i32 to vector<16xi32>
          %add3A_272 = arith.addi %add3A_271, %get3A_9 : vector<16xi32>
          %gather3A_273 = tpu.vector_load_idx %arg8[%add3A_272] : memref<25600xf32, #tpu.memory_space<vmem>>[vector<16xi32>], vector<16xf32>,
          %add3A_274 = arith.constant 128 : i32
          %add3A_275 = arith.addi %mul3A_145, %add3A_274 : i32
          %add3A_276 = vector.broadcast %add3A_275 : i32 to vector<16xi32>
          %add3A_277 = arith.addi %add3A_276, %get3A_11 : vector<16xi32>
          %gather3A_278 = tpu.vector_load_idx %arg8[%add3A_277] : memref<25600xf32, #tpu.memory_space<vmem>>[vector<16xi32>], vector<16xf32>,
          %add3A_279 = arith.constant 128 : i32
          %add3A_280 = arith.addi %mul3A_145, %add3A_279 : i32
          %add3A_281 = vector.broadcast %add3A_280 : i32 to vector<16xi32>
          %add3A_282 = arith.addi %add3A_281, %get3A_13 : vector<16xi32>
          %gather3A_283 = tpu.vector_load_idx %arg8[%add3A_282] : memref<25600xf32, #tpu.memory_space<vmem>>[vector<16xi32>], vector<16xf32>,
          %add3A_284 = arith.constant 128 : i32
          %add3A_285 = arith.addi %mul3A_145, %add3A_284 : i32
          %add3A_286 = vector.broadcast %add3A_285 : i32 to vector<16xi32>
          %add3A_287 = arith.addi %add3A_286, %get3A_15 : vector<16xi32>
          %gather3A_288 = tpu.vector_load_idx %arg8[%add3A_287] : memref<25600xf32, #tpu.memory_space<vmem>>[vector<16xi32>], vector<16xf32>,
          %get3A_289 = arith.index_cast %add3A_149 : i32 to index
          %get3A_290 = tpu.vector_load %arg8[%get3A_289] {strides = array<i32>} : memref<25600xf32, #tpu.memory_space<vmem>>, vector<16xf32>,
          %get3A_291 = arith.index_cast %add3A_153 : i32 to index
          %get3A_292 = tpu.vector_load %arg8[%get3A_291] {strides = array<i32>} : memref<25600xf32, #tpu.memory_space<vmem>>, vector<16xf32>,
          %get3A_293 = arith.index_cast %add3A_157 : i32 to index
          %get3A_294 = tpu.vector_load %arg8[%get3A_293] {strides = array<i32>} : memref<25600xf32, #tpu.memory_space<vmem>>, vector<16xf32>,
          %get3A_295 = arith.index_cast %add3A_161 : i32 to index
          %get3A_296 = tpu.vector_load %arg8[%get3A_295] {strides = array<i32>} : memref<25600xf32, #tpu.memory_space<vmem>>, vector<16xf32>,
          %get3A_297 = arith.index_cast %add3A_165 : i32 to index
          %get3A_298 = tpu.vector_load %arg8[%get3A_297] {strides = array<i32>} : memref<25600xf32, #tpu.memory_space<vmem>>, vector<16xf32>,
          %get3A_299 = arith.index_cast %add3A_169 : i32 to index
          %get3A_300 = tpu.vector_load %arg8[%get3A_299] {strides = array<i32>} : memref<25600xf32, #tpu.memory_space<vmem>>, vector<16xf32>,
          %get3A_301 = arith.index_cast %add3A_173 : i32 to index
          %get3A_302 = tpu.vector_load %arg8[%get3A_301] {strides = array<i32>} : memref<25600xf32, #tpu.memory_space<vmem>>, vector<16xf32>,
          %get3A_303 = arith.index_cast %add3A_177 : i32 to index
          %get3A_304 = tpu.vector_load %arg8[%get3A_303] {strides = array<i32>} : memref<25600xf32, #tpu.memory_space<vmem>>, vector<16xf32>,
          %get3A_305 = arith.index_cast %add3A_181 : i32 to index
          %get3A_306 = tpu.vector_load %arg8[%get3A_305] {strides = array<i32>} : memref<25600xf32, #tpu.memory_space<vmem>>, vector<16xf32>,
          %get3A_307 = arith.index_cast %add3A_185 : i32 to index
          %get3A_308 = tpu.vector_load %arg8[%get3A_307] {strides = array<i32>} : memref<25600xf32, #tpu.memory_space<vmem>>, vector<16xf32>,
          %get3A_309 = arith.index_cast %add3A_189 : i32 to index
          %get3A_310 = tpu.vector_load %arg8[%get3A_309] {strides = array<i32>} : memref<25600xf32, #tpu.memory_space<vmem>>, vector<16xf32>,
          %get3A_311 = arith.index_cast %add3A_193 : i32 to index
          %get3A_312 = tpu.vector_load %arg8[%get3A_311] {strides = array<i32>} : memref<25600xf32, #tpu.memory_space<vmem>>, vector<16xf32>,
          %get3A_313 = arith.index_cast %add3A_197 : i32 to index
          %get3A_314 = tpu.vector_load %arg8[%get3A_313] {strides = array<i32>} : memref<25600xf32, #tpu.memory_space<vmem>>, vector<16xf32>,
          %get3A_315 = arith.index_cast %add3A_201 : i32 to index
          %get3A_316 = tpu.vector_load %arg8[%get3A_315] {strides = array<i32>} : memref<25600xf32, #tpu.memory_space<vmem>>, vector<16xf32>,
          %get3A_317 = arith.index_cast %add3A_205 : i32 to index
          %get3A_318 = tpu.vector_load %arg8[%get3A_317] {strides = array<i32>} : memref<25600xf32, #tpu.memory_space<vmem>>, vector<16xf32>,
          %get3A_319 = arith.index_cast %add3A_209 : i32 to index
          %get3A_320 = tpu.vector_load %arg8[%get3A_319] {strides = array<i32>} : memref<25600xf32, #tpu.memory_space<vmem>>, vector<16xf32>,
          %mul3A_321 = arith.constant 1.000000e-01 : f32
          %mul3A_322 = vector.broadcast %mul3A_321 : f32 to vector<16xf32>
          %mul3A_323 = arith.mulf %mul3A_322, %gather3A : vector<16xf32>
          %add3A_324 = arith.addf %get3A_290, %mul3A_323 : vector<16xf32>
          %sub3A_325 = arith.subf %add3A_324, %get3A_19 : vector<16xf32>
          %mul3A_326 = arith.constant 1.000000e-01 : f32
          %mul3A_327 = vector.broadcast %mul3A_326 : f32 to vector<16xf32>
          %mul3A_328 = arith.mulf %mul3A_327, %gather3A_218 : vector<16xf32>
          %add3A_329 = arith.addf %get3A_292, %mul3A_328 : vector<16xf32>
          %sub3A_330 = arith.subf %add3A_329, %get3A_23 : vector<16xf32>
          %mul3A_331 = arith.constant 1.000000e-01 : f32
          %mul3A_332 = vector.broadcast %mul3A_331 : f32 to vector<16xf32>
          %mul3A_333 = arith.mulf %mul3A_332, %gather3A_223 : vector<16xf32>
          %add3A_334 = arith.addf %get3A_294, %mul3A_333 : vector<16xf32>
          %sub3A_335 = arith.subf %add3A_334, %get3A_27 : vector<16xf32>
          %mul3A_336 = arith.constant 1.000000e-01 : f32
          %mul3A_337 = vector.broadcast %mul3A_336 : f32 to vector<16xf32>
          %mul3A_338 = arith.mulf %mul3A_337, %gather3A_228 : vector<16xf32>
          %add3A_339 = arith.addf %get3A_296, %mul3A_338 : vector<16xf32>
          %sub3A_340 = arith.subf %add3A_339, %get3A_31 : vector<16xf32>
          %mul3A_341 = arith.constant 1.000000e-01 : f32
          %mul3A_342 = vector.broadcast %mul3A_341 : f32 to vector<16xf32>
          %mul3A_343 = arith.mulf %mul3A_342, %gather3A_233 : vector<16xf32>
          %add3A_344 = arith.addf %get3A_298, %mul3A_343 : vector<16xf32>
          %sub3A_345 = arith.subf %add3A_344, %get3A_35 : vector<16xf32>
          %mul3A_346 = arith.constant 1.000000e-01 : f32
          %mul3A_347 = vector.broadcast %mul3A_346 : f32 to vector<16xf32>
          %mul3A_348 = arith.mulf %mul3A_347, %gather3A_238 : vector<16xf32>
          %add3A_349 = arith.addf %get3A_300, %mul3A_348 : vector<16xf32>
          %sub3A_350 = arith.subf %add3A_349, %get3A_39 : vector<16xf32>
          %mul3A_351 = arith.constant 1.000000e-01 : f32
          %mul3A_352 = vector.broadcast %mul3A_351 : f32 to vector<16xf32>
          %mul3A_353 = arith.mulf %mul3A_352, %gather3A_243 : vector<16xf32>
          %add3A_354 = arith.addf %get3A_302, %mul3A_353 : vector<16xf32>
          %sub3A_355 = arith.subf %add3A_354, %get3A_43 : vector<16xf32>
          %mul3A_356 = arith.constant 1.000000e-01 : f32
          %mul3A_357 = vector.broadcast %mul3A_356 : f32 to vector<16xf32>
          %mul3A_358 = arith.mulf %mul3A_357, %gather3A_248 : vector<16xf32>
          %add3A_359 = arith.addf %get3A_304, %mul3A_358 : vector<16xf32>
          %sub3A_360 = arith.subf %add3A_359, %get3A_47 : vector<16xf32>
          %mul3A_361 = arith.constant 1.000000e-01 : f32
          %mul3A_362 = vector.broadcast %mul3A_361 : f32 to vector<16xf32>
          %mul3A_363 = arith.mulf %mul3A_362, %gather3A_253 : vector<16xf32>
          %add3A_364 = arith.addf %get3A_306, %mul3A_363 : vector<16xf32>
          %sub3A_365 = arith.subf %add3A_364, %get3A_19 : vector<16xf32>
          %mul3A_366 = arith.constant 1.000000e-01 : f32
          %mul3A_367 = vector.broadcast %mul3A_366 : f32 to vector<16xf32>
          %mul3A_368 = arith.mulf %mul3A_367, %gather3A_258 : vector<16xf32>
          %add3A_369 = arith.addf %get3A_308, %mul3A_368 : vector<16xf32>
          %sub3A_370 = arith.subf %add3A_369, %get3A_23 : vector<16xf32>
          %mul3A_371 = arith.constant 1.000000e-01 : f32
          %mul3A_372 = vector.broadcast %mul3A_371 : f32 to vector<16xf32>
          %mul3A_373 = arith.mulf %mul3A_372, %gather3A_263 : vector<16xf32>
          %add3A_374 = arith.addf %get3A_310, %mul3A_373 : vector<16xf32>
          %sub3A_375 = arith.subf %add3A_374, %get3A_27 : vector<16xf32>
          %mul3A_376 = arith.constant 1.000000e-01 : f32
          %mul3A_377 = vector.broadcast %mul3A_376 : f32 to vector<16xf32>
          %mul3A_378 = arith.mulf %mul3A_377, %gather3A_268 : vector<16xf32>
          %add3A_379 = arith.addf %get3A_312, %mul3A_378 : vector<16xf32>
          %sub3A_380 = arith.subf %add3A_379, %get3A_31 : vector<16xf32>
          %mul3A_381 = arith.constant 1.000000e-01 : f32
          %mul3A_382 = vector.broadcast %mul3A_381 : f32 to vector<16xf32>
          %mul3A_383 = arith.mulf %mul3A_382, %gather3A_273 : vector<16xf32>
          %add3A_384 = arith.addf %get3A_314, %mul3A_383 : vector<16xf32>
          %sub3A_385 = arith.subf %add3A_384, %get3A_35 : vector<16xf32>
          %mul3A_386 = arith.constant 1.000000e-01 : f32
          %mul3A_387 = vector.broadcast %mul3A_386 : f32 to vector<16xf32>
          %mul3A_388 = arith.mulf %mul3A_387, %gather3A_278 : vector<16xf32>
          %add3A_389 = arith.addf %get3A_316, %mul3A_388 : vector<16xf32>
          %sub3A_390 = arith.subf %add3A_389, %get3A_39 : vector<16xf32>
          %mul3A_391 = arith.constant 1.000000e-01 : f32
          %mul3A_392 = vector.broadcast %mul3A_391 : f32 to vector<16xf32>
          %mul3A_393 = arith.mulf %mul3A_392, %gather3A_283 : vector<16xf32>
          %add3A_394 = arith.addf %get3A_318, %mul3A_393 : vector<16xf32>
          %sub3A_395 = arith.subf %add3A_394, %get3A_43 : vector<16xf32>
          %mul3A_396 = arith.constant 1.000000e-01 : f32
          %mul3A_397 = vector.broadcast %mul3A_396 : f32 to vector<16xf32>
          %mul3A_398 = arith.mulf %mul3A_397, %gather3A_288 : vector<16xf32>
          %add3A_399 = arith.addf %get3A_320, %mul3A_398 : vector<16xf32>
          %sub3A_400 = arith.subf %add3A_399, %get3A_47 : vector<16xf32>
          %swap3A = arith.index_cast %add3A_149 : i32 to index
          %swap3A_401 = tpu.vector_load %arg10[%swap3A] {strides = array<i32>} : memref<25600xf32, #tpu.memory_space<vmem>>, vector<16xf32>,
          tpu.vector_store %arg10[%swap3A], %sub3A_325 {strides = array<i32>} : memref<25600xf32, #tpu.memory_space<vmem>>, vector<16xf32>,
          %swap3A_402 = arith.index_cast %add3A_153 : i32 to index
          %swap3A_403 = tpu.vector_load %arg10[%swap3A_402] {strides = array<i32>} : memref<25600xf32, #tpu.memory_space<vmem>>, vector<16xf32>,
          tpu.vector_store %arg10[%swap3A_402], %sub3A_330 {strides = array<i32>} : memref<25600xf32, #tpu.memory_space<vmem>>, vector<16xf32>,
          %swap3A_404 = arith.index_cast %add3A_157 : i32 to index
          %swap3A_405 = tpu.vector_load %arg10[%swap3A_404] {strides = array<i32>} : memref<25600xf32, #tpu.memory_space<vmem>>, vector<16xf32>,
          tpu.vector_store %arg10[%swap3A_404], %sub3A_335 {strides = array<i32>} : memref<25600xf32, #tpu.memory_space<vmem>>, vector<16xf32>,
          %swap3A_406 = arith.index_cast %add3A_161 : i32 to index
          %swap3A_407 = tpu.vector_load %arg10[%swap3A_406] {strides = array<i32>} : memref<25600xf32, #tpu.memory_space<vmem>>, vector<16xf32>,
          tpu.vector_store %arg10[%swap3A_406], %sub3A_340 {strides = array<i32>} : memref<25600xf32, #tpu.memory_space<vmem>>, vector<16xf32>,
          %swap3A_408 = arith.index_cast %add3A_165 : i32 to index
          %swap3A_409 = tpu.vector_load %arg10[%swap3A_408] {strides = array<i32>} : memref<25600xf32, #tpu.memory_space<vmem>>, vector<16xf32>,
          tpu.vector_store %arg10[%swap3A_408], %sub3A_345 {strides = array<i32>} : memref<25600xf32, #tpu.memory_space<vmem>>, vector<16xf32>,
          %swap3A_410 = arith.index_cast %add3A_169 : i32 to index
          %swap3A_411 = tpu.vector_load %arg10[%swap3A_410] {strides = array<i32>} : memref<25600xf32, #tpu.memory_space<vmem>>, vector<16xf32>,
          tpu.vector_store %arg10[%swap3A_410], %sub3A_350 {strides = array<i32>} : memref<25600xf32, #tpu.memory_space<vmem>>, vector<16xf32>,
          %swap3A_412 = arith.index_cast %add3A_173 : i32 to index
          %swap3A_413 = tpu.vector_load %arg10[%swap3A_412] {strides = array<i32>} : memref<25600xf32, #tpu.memory_space<vmem>>, vector<16xf32>,
          tpu.vector_store %arg10[%swap3A_412], %sub3A_355 {strides = array<i32>} : memref<25600xf32, #tpu.memory_space<vmem>>, vector<16xf32>,
          %swap3A_414 = arith.index_cast %add3A_177 : i32 to index
          %swap3A_415 = tpu.vector_load %arg10[%swap3A_414] {strides = array<i32>} : memref<25600xf32, #tpu.memory_space<vmem>>, vector<16xf32>,
          tpu.vector_store %arg10[%swap3A_414], %sub3A_360 {strides = array<i32>} : memref<25600xf32, #tpu.memory_space<vmem>>, vector<16xf32>,
          %swap3A_416 = arith.index_cast %add3A_181 : i32 to index
          %swap3A_417 = tpu.vector_load %arg10[%swap3A_416] {strides = array<i32>} : memref<25600xf32, #tpu.memory_space<vmem>>, vector<16xf32>,
          tpu.vector_store %arg10[%swap3A_416], %sub3A_365 {strides = array<i32>} : memref<25600xf32, #tpu.memory_space<vmem>>, vector<16xf32>,
          %swap3A_418 = arith.index_cast %add3A_185 : i32 to index
          %swap3A_419 = tpu.vector_load %arg10[%swap3A_418] {strides = array<i32>} : memref<25600xf32, #tpu.memory_space<vmem>>, vector<16xf32>,
          tpu.vector_store %arg10[%swap3A_418], %sub3A_370 {strides = array<i32>} : memref<25600xf32, #tpu.memory_space<vmem>>, vector<16xf32>,
          %swap3A_420 = arith.index_cast %add3A_189 : i32 to index
          %swap3A_421 = tpu.vector_load %arg10[%swap3A_420] {strides = array<i32>} : memref<25600xf32, #tpu.memory_space<vmem>>, vector<16xf32>,
          tpu.vector_store %arg10[%swap3A_420], %sub3A_375 {strides = array<i32>} : memref<25600xf32, #tpu.memory_space<vmem>>, vector<16xf32>,
          %swap3A_422 = arith.index_cast %add3A_193 : i32 to index
          %swap3A_423 = tpu.vector_load %arg10[%swap3A_422] {strides = array<i32>} : memref<25600xf32, #tpu.memory_space<vmem>>, vector<16xf32>,
          tpu.vector_store %arg10[%swap3A_422], %sub3A_380 {strides = array<i32>} : memref<25600xf32, #tpu.memory_space<vmem>>, vector<16xf32>,
          %swap3A_424 = arith.index_cast %add3A_197 : i32 to index
          %swap3A_425 = tpu.vector_load %arg10[%swap3A_424] {strides = array<i32>} : memref<25600xf32, #tpu.memory_space<vmem>>, vector<16xf32>,
          tpu.vector_store %arg10[%swap3A_424], %sub3A_385 {strides = array<i32>} : memref<25600xf32, #tpu.memory_space<vmem>>, vector<16xf32>,
          %swap3A_426 = arith.index_cast %add3A_201 : i32 to index
          %swap3A_427 = tpu.vector_load %arg10[%swap3A_426] {strides = array<i32>} : memref<25600xf32, #tpu.memory_space<vmem>>, vector<16xf32>,
          tpu.vector_store %arg10[%swap3A_426], %sub3A_390 {strides = array<i32>} : memref<25600xf32, #tpu.memory_space<vmem>>, vector<16xf32>,
          %swap3A_428 = arith.index_cast %add3A_205 : i32 to index
          %swap3A_429 = tpu.vector_load %arg10[%swap3A_428] {strides = array<i32>} : memref<25600xf32, #tpu.memory_space<vmem>>, vector<16xf32>,
          tpu.vector_store %arg10[%swap3A_428], %sub3A_395 {strides = array<i32>} : memref<25600xf32, #tpu.memory_space<vmem>>, vector<16xf32>,
          %swap3A_430 = arith.index_cast %add3A_209 : i32 to index
          %swap3A_431 = tpu.vector_load %arg10[%swap3A_430] {strides = array<i32>} : memref<25600xf32, #tpu.memory_space<vmem>>, vector<16xf32>,
          tpu.vector_store %arg10[%swap3A_430], %sub3A_400 {strides = array<i32>} : memref<25600xf32, #tpu.memory_space<vmem>>, vector<16xf32>,
          %scan3A_432 = arith.constant 0 : i32
          scf.yield %scan3A_432 : i32
        }
        %scan3A_134 = arith.constant 100 : i32
        %mul3A_135 = arith.constant 32 : i32
        %mul3A_136 = arith.muli %mul3A_135, %while3A_73 : i32
        %add3A_137 = arith.addi %add3A, %mul3A_136 : i32
        %mul3A_138 = arith.constant 25600 : i32
        %mul3A_139 = arith.muli %add3A_137, %mul3A_138 : i32
        %dma_start3A_140 = tpu.memref_slice %arg5[%mul3A_139] : memref<12800000xf32, #tpu.memory_space<hbm>> -> memref<25600xf32, #tpu.memory_space<hbm>>
        %dma_start3A_141 = tpu.memref_slice %arg5[%mul3A_139] : memref<12800000xf32, #tpu.memory_space<hbm>> -> memref<25600xf32, #tpu.memory_space<hbm>>
        tpu.enqueue_dma source(%arg10 : memref<25600xf32, #tpu.memory_space<vmem>>) target(%dma_start3A_141 : memref<25600xf32, #tpu.memory_space<hbm>>) target_semaphore(%arg14 : memref<!tpu.dma_semaphore, #tpu.memory_space<semaphore_mem>>)
      } else {
      }
      %jit3A_92 = arith.constant 2 : i32
      %eq3A_93 = arith.constant 0 : i32
      %eq3A_94 = arith.cmpi eq, %jit3A_92, %eq3A_93 : i32
      %jit3A_95 = arith.constant 1 : i32
      %select_n3A_96 = arith.select %eq3A_94, %jit3A_95, %jit3A_92 : i32
      %rem3A_97 = arith.remsi %while3A_73, %select_n3A_96 : i32
      %ne3A_98 = arith.constant 0 : i32
      %ne3A_99 = arith.cmpi ne, %rem3A_97, %ne3A_98 : i32
      %lt3A_100 = arith.constant 0 : i32
      %lt3A_101 = arith.cmpi slt, %rem3A_97, %lt3A_100 : i32
      %lt3A_102 = arith.constant 0 : i32
      %lt3A_103 = arith.cmpi slt, %select_n3A_96, %lt3A_102 : i32
      %ne3A_104 = arith.xori %lt3A_101, %lt3A_103 : i1
      %and3A_105 = arith.andi %ne3A_104, %ne3A_99 : i1
      %add3A_106 = arith.addi %rem3A_97, %select_n3A_96 : i32
      %select_n3A_107 = arith.select %and3A_105, %add3A_106, %rem3A_97 : i32
      %eq3A_108 = arith.constant 1 : i32
      %eq3A_109 = arith.cmpi eq, %select_n3A_107, %eq3A_108 : i32
      %convert_element_type3A_110 = arith.extui %eq3A_109 : i1 to i32
      %cond3A_111 = arith.constant 0 : i32
      %cond3A_112 = arith.cmpi ne, %convert_element_type3A_110, %cond3A_111 : i32
      scf.if %cond3A_112 {
        %mul3A_114 = arith.constant 32 : i32
        %mul3A_115 = arith.muli %mul3A_114, %while3A_73 : i32
        %add3A_116 = arith.addi %add3A, %mul3A_115 : i32
        %mul3A_117 = arith.constant 25600 : i32
        %mul3A_118 = arith.muli %add3A_116, %mul3A_117 : i32
        %dma_wait3A = tpu.memref_slice %arg2[%mul3A_118] : memref<12800000xf32, #tpu.memory_space<hbm>> -> memref<25600xf32, #tpu.memory_space<hbm>>
        %dma_wait3A_119 = tpu.memref_slice %arg2[%mul3A_118] : memref<12800000xf32, #tpu.memory_space<hbm>> -> memref<25600xf32, #tpu.memory_space<hbm>>
        tpu.wait_dma2 semaphore(%arg13 : memref<!tpu.dma_semaphore, #tpu.memory_space<semaphore_mem>>) src(%dma_wait3A_119 : memref<25600xf32, #tpu.memory_space<hbm>>) dst(%arg9 : memref<25600xf32, #tpu.memory_space<vmem>>)
        %ge3A_120 = arith.constant 1 : i32
        %ge3A_121 = arith.cmpi sge, %while3A_73, %ge3A_120 : i32
        %convert_element_type3A_122 = arith.extui %ge3A_121 : i1 to i32
        %cond3A_123 = arith.constant 0 : i32
        %cond3A_124 = arith.cmpi ne, %convert_element_type3A_122, %cond3A_123 : i32
        scf.if %cond3A_124 {
          %sub3A_142 = arith.constant 1 : i32
          %sub3A_143 = arith.subi %while3A_73, %sub3A_142 : i32
          %mul3A_144 = arith.constant 32 : i32
          %mul3A_145 = arith.muli %mul3A_144, %sub3A_143 : i32
          %add3A_146 = arith.addi %add3A, %mul3A_145 : i32
          %mul3A_147 = arith.constant 25600 : i32
          %mul3A_148 = arith.muli %add3A_146, %mul3A_147 : i32
          %dma_wait3A_149 = tpu.memref_slice %arg5[%mul3A_148] : memref<12800000xf32, #tpu.memory_space<hbm>> -> memref<25600xf32, #tpu.memory_space<hbm>>
          %dma_wait3A_150 = tpu.memref_slice %arg5[%mul3A_148] : memref<12800000xf32, #tpu.memory_space<hbm>> -> memref<25600xf32, #tpu.memory_space<hbm>>
          tpu.wait_dma2 semaphore(%arg14 : memref<!tpu.dma_semaphore, #tpu.memory_space<semaphore_mem>>) src(%arg10 : memref<25600xf32, #tpu.memory_space<vmem>>) dst(%dma_wait3A_150 : memref<25600xf32, #tpu.memory_space<hbm>>)
        } else {
        }
        %sub3A = arith.constant 2 : i32
        %sub3A_125 = arith.subi %select_n3A, %sub3A : i32
        %le3A = arith.cmpi sle, %while3A_73, %sub3A_125 : i32
        %convert_element_type3A_126 = arith.extui %le3A : i1 to i32
        %cond3A_127 = arith.constant 0 : i32
        %cond3A_128 = arith.cmpi ne, %convert_element_type3A_126, %cond3A_127 : i32
        scf.if %cond3A_128 {
          %add3A_142 = arith.constant 1 : i32
          %add3A_143 = arith.addi %while3A_73, %add3A_142 : i32
          %mul3A_144 = arith.constant 32 : i32
          %mul3A_145 = arith.muli %mul3A_144, %add3A_143 : i32
          %add3A_146 = arith.addi %add3A, %mul3A_145 : i32
          %mul3A_147 = arith.constant 25600 : i32
          %mul3A_148 = arith.muli %add3A_146, %mul3A_147 : i32
          %dma_start3A_149 = tpu.memref_slice %arg2[%mul3A_148] : memref<12800000xf32, #tpu.memory_space<hbm>> -> memref<25600xf32, #tpu.memory_space<hbm>>
          %dma_start3A_150 = tpu.memref_slice %arg2[%mul3A_148] : memref<12800000xf32, #tpu.memory_space<hbm>> -> memref<25600xf32, #tpu.memory_space<hbm>>
          tpu.enqueue_dma source(%dma_start3A_150 : memref<25600xf32, #tpu.memory_space<hbm>>) target(%arg8 : memref<25600xf32, #tpu.memory_space<vmem>>) target_semaphore(%arg12 : memref<!tpu.dma_semaphore, #tpu.memory_space<semaphore_mem>>)
        } else {
        }
        %scan3A = arith.constant 0 : i32
        %scan3A_129 = arith.constant 0 : i32
        %scan3A_130 = arith.constant 100 : i32
        %scan3A_131 = arith.addi %scan3A_129, %scan3A_130 : i32
        %scan3A_132 = arith.constant 1 : i32
        %scan3A_133 = scf.for %scan3A_142 = %scan3A_129 to %scan3A_131 step %scan3A_132 iter_args(%scan3A_143 = %scan3A) -> (i32)  : i32 {
          %mul3A_144 = arith.constant 256 : i32
          %mul3A_145 = arith.muli %scan3A_142, %mul3A_144 : i32
          %add3A_146 = arith.constant 0 : i32
          %add3A_147 = arith.addi %mul3A_145, %add3A_146 : i32
          %add3A_148 = arith.constant 0 : i32
          %add3A_149 = arith.addi %add3A_147, %add3A_148 : i32
          %add3A_150 = arith.constant 0 : i32
          %add3A_151 = arith.addi %mul3A_145, %add3A_150 : i32
          %add3A_152 = arith.constant 16 : i32
          %add3A_153 = arith.addi %add3A_151, %add3A_152 : i32
          %add3A_154 = arith.constant 0 : i32
          %add3A_155 = arith.addi %mul3A_145, %add3A_154 : i32
          %add3A_156 = arith.constant 32 : i32
          %add3A_157 = arith.addi %add3A_155, %add3A_156 : i32
          %add3A_158 = arith.constant 0 : i32
          %add3A_159 = arith.addi %mul3A_145, %add3A_158 : i32
          %add3A_160 = arith.constant 48 : i32
          %add3A_161 = arith.addi %add3A_159, %add3A_160 : i32
          %add3A_162 = arith.constant 0 : i32
          %add3A_163 = arith.addi %mul3A_145, %add3A_162 : i32
          %add3A_164 = arith.constant 64 : i32
          %add3A_165 = arith.addi %add3A_163, %add3A_164 : i32
          %add3A_166 = arith.constant 0 : i32
          %add3A_167 = arith.addi %mul3A_145, %add3A_166 : i32
          %add3A_168 = arith.constant 80 : i32
          %add3A_169 = arith.addi %add3A_167, %add3A_168 : i32
          %add3A_170 = arith.constant 0 : i32
          %add3A_171 = arith.addi %mul3A_145, %add3A_170 : i32
          %add3A_172 = arith.constant 96 : i32
          %add3A_173 = arith.addi %add3A_171, %add3A_172 : i32
          %add3A_174 = arith.constant 0 : i32
          %add3A_175 = arith.addi %mul3A_145, %add3A_174 : i32
          %add3A_176 = arith.constant 112 : i32
          %add3A_177 = arith.addi %add3A_175, %add3A_176 : i32
          %add3A_178 = arith.constant 128 : i32
          %add3A_179 = arith.addi %mul3A_145, %add3A_178 : i32
          %add3A_180 = arith.constant 0 : i32
          %add3A_181 = arith.addi %add3A_179, %add3A_180 : i32
          %add3A_182 = arith.constant 128 : i32
          %add3A_183 = arith.addi %mul3A_145, %add3A_182 : i32
          %add3A_184 = arith.constant 16 : i32
          %add3A_185 = arith.addi %add3A_183, %add3A_184 : i32
          %add3A_186 = arith.constant 128 : i32
          %add3A_187 = arith.addi %mul3A_145, %add3A_186 : i32
          %add3A_188 = arith.constant 32 : i32
          %add3A_189 = arith.addi %add3A_187, %add3A_188 : i32
          %add3A_190 = arith.constant 128 : i32
          %add3A_191 = arith.addi %mul3A_145, %add3A_190 : i32
          %add3A_192 = arith.constant 48 : i32
          %add3A_193 = arith.addi %add3A_191, %add3A_192 : i32
          %add3A_194 = arith.constant 128 : i32
          %add3A_195 = arith.addi %mul3A_145, %add3A_194 : i32
          %add3A_196 = arith.constant 64 : i32
          %add3A_197 = arith.addi %add3A_195, %add3A_196 : i32
          %add3A_198 = arith.constant 128 : i32
          %add3A_199 = arith.addi %mul3A_145, %add3A_198 : i32
          %add3A_200 = arith.constant 80 : i32
          %add3A_201 = arith.addi %add3A_199, %add3A_200 : i32
          %add3A_202 = arith.constant 128 : i32
          %add3A_203 = arith.addi %mul3A_145, %add3A_202 : i32
          %add3A_204 = arith.constant 96 : i32
          %add3A_205 = arith.addi %add3A_203, %add3A_204 : i32
          %add3A_206 = arith.constant 128 : i32
          %add3A_207 = arith.addi %mul3A_145, %add3A_206 : i32
          %add3A_208 = arith.constant 112 : i32
          %add3A_209 = arith.addi %add3A_207, %add3A_208 : i32
          %add3A_210 = arith.constant 0 : i32
          %add3A_211 = arith.addi %mul3A_145, %add3A_210 : i32
          %add3A_212 = vector.broadcast %add3A_211 : i32 to vector<16xi32>
          %add3A_213 = arith.addi %add3A_212, %get3A_1 : vector<16xi32>
          %gather3A = tpu.vector_load_idx %arg9[%add3A_213] : memref<25600xf32, #tpu.memory_space<vmem>>[vector<16xi32>], vector<16xf32>,
          %add3A_214 = arith.constant 0 : i32
          %add3A_215 = arith.addi %mul3A_145, %add3A_214 : i32
          %add3A_216 = vector.broadcast %add3A_215 : i32 to vector<16xi32>
          %add3A_217 = arith.addi %add3A_216, %get3A_3 : vector<16xi32>
          %gather3A_218 = tpu.vector_load_idx %arg9[%add3A_217] : memref<25600xf32, #tpu.memory_space<vmem>>[vector<16xi32>], vector<16xf32>,
          %add3A_219 = arith.constant 0 : i32
          %add3A_220 = arith.addi %mul3A_145, %add3A_219 : i32
          %add3A_221 = vector.broadcast %add3A_220 : i32 to vector<16xi32>
          %add3A_222 = arith.addi %add3A_221, %get3A_5 : vector<16xi32>
          %gather3A_223 = tpu.vector_load_idx %arg9[%add3A_222] : memref<25600xf32, #tpu.memory_space<vmem>>[vector<16xi32>], vector<16xf32>,
          %add3A_224 = arith.constant 0 : i32
          %add3A_225 = arith.addi %mul3A_145, %add3A_224 : i32
          %add3A_226 = vector.broadcast %add3A_225 : i32 to vector<16xi32>
          %add3A_227 = arith.addi %add3A_226, %get3A_7 : vector<16xi32>
          %gather3A_228 = tpu.vector_load_idx %arg9[%add3A_227] : memref<25600xf32, #tpu.memory_space<vmem>>[vector<16xi32>], vector<16xf32>,
          %add3A_229 = arith.constant 0 : i32
          %add3A_230 = arith.addi %mul3A_145, %add3A_229 : i32
          %add3A_231 = vector.broadcast %add3A_230 : i32 to vector<16xi32>
          %add3A_232 = arith.addi %add3A_231, %get3A_9 : vector<16xi32>
          %gather3A_233 = tpu.vector_load_idx %arg9[%add3A_232] : memref<25600xf32, #tpu.memory_space<vmem>>[vector<16xi32>], vector<16xf32>,
          %add3A_234 = arith.constant 0 : i32
          %add3A_235 = arith.addi %mul3A_145, %add3A_234 : i32
          %add3A_236 = vector.broadcast %add3A_235 : i32 to vector<16xi32>
          %add3A_237 = arith.addi %add3A_236, %get3A_11 : vector<16xi32>
          %gather3A_238 = tpu.vector_load_idx %arg9[%add3A_237] : memref<25600xf32, #tpu.memory_space<vmem>>[vector<16xi32>], vector<16xf32>,
          %add3A_239 = arith.constant 0 : i32
          %add3A_240 = arith.addi %mul3A_145, %add3A_239 : i32
          %add3A_241 = vector.broadcast %add3A_240 : i32 to vector<16xi32>
          %add3A_242 = arith.addi %add3A_241, %get3A_13 : vector<16xi32>
          %gather3A_243 = tpu.vector_load_idx %arg9[%add3A_242] : memref<25600xf32, #tpu.memory_space<vmem>>[vector<16xi32>], vector<16xf32>,
          %add3A_244 = arith.constant 0 : i32
          %add3A_245 = arith.addi %mul3A_145, %add3A_244 : i32
          %add3A_246 = vector.broadcast %add3A_245 : i32 to vector<16xi32>
          %add3A_247 = arith.addi %add3A_246, %get3A_15 : vector<16xi32>
          %gather3A_248 = tpu.vector_load_idx %arg9[%add3A_247] : memref<25600xf32, #tpu.memory_space<vmem>>[vector<16xi32>], vector<16xf32>,
          %add3A_249 = arith.constant 128 : i32
          %add3A_250 = arith.addi %mul3A_145, %add3A_249 : i32
          %add3A_251 = vector.broadcast %add3A_250 : i32 to vector<16xi32>
          %add3A_252 = arith.addi %add3A_251, %get3A_1 : vector<16xi32>
          %gather3A_253 = tpu.vector_load_idx %arg9[%add3A_252] : memref<25600xf32, #tpu.memory_space<vmem>>[vector<16xi32>], vector<16xf32>,
          %add3A_254 = arith.constant 128 : i32
          %add3A_255 = arith.addi %mul3A_145, %add3A_254 : i32
          %add3A_256 = vector.broadcast %add3A_255 : i32 to vector<16xi32>
          %add3A_257 = arith.addi %add3A_256, %get3A_3 : vector<16xi32>
          %gather3A_258 = tpu.vector_load_idx %arg9[%add3A_257] : memref<25600xf32, #tpu.memory_space<vmem>>[vector<16xi32>], vector<16xf32>,
          %add3A_259 = arith.constant 128 : i32
          %add3A_260 = arith.addi %mul3A_145, %add3A_259 : i32
          %add3A_261 = vector.broadcast %add3A_260 : i32 to vector<16xi32>
          %add3A_262 = arith.addi %add3A_261, %get3A_5 : vector<16xi32>
          %gather3A_263 = tpu.vector_load_idx %arg9[%add3A_262] : memref<25600xf32, #tpu.memory_space<vmem>>[vector<16xi32>], vector<16xf32>,
          %add3A_264 = arith.constant 128 : i32
          %add3A_265 = arith.addi %mul3A_145, %add3A_264 : i32
          %add3A_266 = vector.broadcast %add3A_265 : i32 to vector<16xi32>
          %add3A_267 = arith.addi %add3A_266, %get3A_7 : vector<16xi32>
          %gather3A_268 = tpu.vector_load_idx %arg9[%add3A_267] : memref<25600xf32, #tpu.memory_space<vmem>>[vector<16xi32>], vector<16xf32>,
          %add3A_269 = arith.constant 128 : i32
          %add3A_270 = arith.addi %mul3A_145, %add3A_269 : i32
          %add3A_271 = vector.broadcast %add3A_270 : i32 to vector<16xi32>
          %add3A_272 = arith.addi %add3A_271, %get3A_9 : vector<16xi32>
          %gather3A_273 = tpu.vector_load_idx %arg9[%add3A_272] : memref<25600xf32, #tpu.memory_space<vmem>>[vector<16xi32>], vector<16xf32>,
          %add3A_274 = arith.constant 128 : i32
          %add3A_275 = arith.addi %mul3A_145, %add3A_274 : i32
          %add3A_276 = vector.broadcast %add3A_275 : i32 to vector<16xi32>
          %add3A_277 = arith.addi %add3A_276, %get3A_11 : vector<16xi32>
          %gather3A_278 = tpu.vector_load_idx %arg9[%add3A_277] : memref<25600xf32, #tpu.memory_space<vmem>>[vector<16xi32>], vector<16xf32>,
          %add3A_279 = arith.constant 128 : i32
          %add3A_280 = arith.addi %mul3A_145, %add3A_279 : i32
          %add3A_281 = vector.broadcast %add3A_280 : i32 to vector<16xi32>
          %add3A_282 = arith.addi %add3A_281, %get3A_13 : vector<16xi32>
          %gather3A_283 = tpu.vector_load_idx %arg9[%add3A_282] : memref<25600xf32, #tpu.memory_space<vmem>>[vector<16xi32>], vector<16xf32>,
          %add3A_284 = arith.constant 128 : i32
          %add3A_285 = arith.addi %mul3A_145, %add3A_284 : i32
          %add3A_286 = vector.broadcast %add3A_285 : i32 to vector<16xi32>
          %add3A_287 = arith.addi %add3A_286, %get3A_15 : vector<16xi32>
          %gather3A_288 = tpu.vector_load_idx %arg9[%add3A_287] : memref<25600xf32, #tpu.memory_space<vmem>>[vector<16xi32>], vector<16xf32>,
          %get3A_289 = arith.index_cast %add3A_149 : i32 to index
          %get3A_290 = tpu.vector_load %arg9[%get3A_289] {strides = array<i32>} : memref<25600xf32, #tpu.memory_space<vmem>>, vector<16xf32>,
          %get3A_291 = arith.index_cast %add3A_153 : i32 to index
          %get3A_292 = tpu.vector_load %arg9[%get3A_291] {strides = array<i32>} : memref<25600xf32, #tpu.memory_space<vmem>>, vector<16xf32>,
          %get3A_293 = arith.index_cast %add3A_157 : i32 to index
          %get3A_294 = tpu.vector_load %arg9[%get3A_293] {strides = array<i32>} : memref<25600xf32, #tpu.memory_space<vmem>>, vector<16xf32>,
          %get3A_295 = arith.index_cast %add3A_161 : i32 to index
          %get3A_296 = tpu.vector_load %arg9[%get3A_295] {strides = array<i32>} : memref<25600xf32, #tpu.memory_space<vmem>>, vector<16xf32>,
          %get3A_297 = arith.index_cast %add3A_165 : i32 to index
          %get3A_298 = tpu.vector_load %arg9[%get3A_297] {strides = array<i32>} : memref<25600xf32, #tpu.memory_space<vmem>>, vector<16xf32>,
          %get3A_299 = arith.index_cast %add3A_169 : i32 to index
          %get3A_300 = tpu.vector_load %arg9[%get3A_299] {strides = array<i32>} : memref<25600xf32, #tpu.memory_space<vmem>>, vector<16xf32>,
          %get3A_301 = arith.index_cast %add3A_173 : i32 to index
          %get3A_302 = tpu.vector_load %arg9[%get3A_301] {strides = array<i32>} : memref<25600xf32, #tpu.memory_space<vmem>>, vector<16xf32>,
          %get3A_303 = arith.index_cast %add3A_177 : i32 to index
          %get3A_304 = tpu.vector_load %arg9[%get3A_303] {strides = array<i32>} : memref<25600xf32, #tpu.memory_space<vmem>>, vector<16xf32>,
          %get3A_305 = arith.index_cast %add3A_181 : i32 to index
          %get3A_306 = tpu.vector_load %arg9[%get3A_305] {strides = array<i32>} : memref<25600xf32, #tpu.memory_space<vmem>>, vector<16xf32>,
          %get3A_307 = arith.index_cast %add3A_185 : i32 to index
          %get3A_308 = tpu.vector_load %arg9[%get3A_307] {strides = array<i32>} : memref<25600xf32, #tpu.memory_space<vmem>>, vector<16xf32>,
          %get3A_309 = arith.index_cast %add3A_189 : i32 to index
          %get3A_310 = tpu.vector_load %arg9[%get3A_309] {strides = array<i32>} : memref<25600xf32, #tpu.memory_space<vmem>>, vector<16xf32>,
          %get3A_311 = arith.index_cast %add3A_193 : i32 to index
          %get3A_312 = tpu.vector_load %arg9[%get3A_311] {strides = array<i32>} : memref<25600xf32, #tpu.memory_space<vmem>>, vector<16xf32>,
          %get3A_313 = arith.index_cast %add3A_197 : i32 to index
          %get3A_314 = tpu.vector_load %arg9[%get3A_313] {strides = array<i32>} : memref<25600xf32, #tpu.memory_space<vmem>>, vector<16xf32>,
          %get3A_315 = arith.index_cast %add3A_201 : i32 to index
          %get3A_316 = tpu.vector_load %arg9[%get3A_315] {strides = array<i32>} : memref<25600xf32, #tpu.memory_space<vmem>>, vector<16xf32>,
          %get3A_317 = arith.index_cast %add3A_205 : i32 to index
          %get3A_318 = tpu.vector_load %arg9[%get3A_317] {strides = array<i32>} : memref<25600xf32, #tpu.memory_space<vmem>>, vector<16xf32>,
          %get3A_319 = arith.index_cast %add3A_209 : i32 to index
          %get3A_320 = tpu.vector_load %arg9[%get3A_319] {strides = array<i32>} : memref<25600xf32, #tpu.memory_space<vmem>>, vector<16xf32>,
          %mul3A_321 = arith.constant 1.000000e-01 : f32
          %mul3A_322 = vector.broadcast %mul3A_321 : f32 to vector<16xf32>
          %mul3A_323 = arith.mulf %mul3A_322, %gather3A : vector<16xf32>
          %add3A_324 = arith.addf %get3A_290, %mul3A_323 : vector<16xf32>
          %sub3A_325 = arith.subf %add3A_324, %get3A_19 : vector<16xf32>
          %mul3A_326 = arith.constant 1.000000e-01 : f32
          %mul3A_327 = vector.broadcast %mul3A_326 : f32 to vector<16xf32>
          %mul3A_328 = arith.mulf %mul3A_327, %gather3A_218 : vector<16xf32>
          %add3A_329 = arith.addf %get3A_292, %mul3A_328 : vector<16xf32>
          %sub3A_330 = arith.subf %add3A_329, %get3A_23 : vector<16xf32>
          %mul3A_331 = arith.constant 1.000000e-01 : f32
          %mul3A_332 = vector.broadcast %mul3A_331 : f32 to vector<16xf32>
          %mul3A_333 = arith.mulf %mul3A_332, %gather3A_223 : vector<16xf32>
          %add3A_334 = arith.addf %get3A_294, %mul3A_333 : vector<16xf32>
          %sub3A_335 = arith.subf %add3A_334, %get3A_27 : vector<16xf32>
          %mul3A_336 = arith.constant 1.000000e-01 : f32
          %mul3A_337 = vector.broadcast %mul3A_336 : f32 to vector<16xf32>
          %mul3A_338 = arith.mulf %mul3A_337, %gather3A_228 : vector<16xf32>
          %add3A_339 = arith.addf %get3A_296, %mul3A_338 : vector<16xf32>
          %sub3A_340 = arith.subf %add3A_339, %get3A_31 : vector<16xf32>
          %mul3A_341 = arith.constant 1.000000e-01 : f32
          %mul3A_342 = vector.broadcast %mul3A_341 : f32 to vector<16xf32>
          %mul3A_343 = arith.mulf %mul3A_342, %gather3A_233 : vector<16xf32>
          %add3A_344 = arith.addf %get3A_298, %mul3A_343 : vector<16xf32>
          %sub3A_345 = arith.subf %add3A_344, %get3A_35 : vector<16xf32>
          %mul3A_346 = arith.constant 1.000000e-01 : f32
          %mul3A_347 = vector.broadcast %mul3A_346 : f32 to vector<16xf32>
          %mul3A_348 = arith.mulf %mul3A_347, %gather3A_238 : vector<16xf32>
          %add3A_349 = arith.addf %get3A_300, %mul3A_348 : vector<16xf32>
          %sub3A_350 = arith.subf %add3A_349, %get3A_39 : vector<16xf32>
          %mul3A_351 = arith.constant 1.000000e-01 : f32
          %mul3A_352 = vector.broadcast %mul3A_351 : f32 to vector<16xf32>
          %mul3A_353 = arith.mulf %mul3A_352, %gather3A_243 : vector<16xf32>
          %add3A_354 = arith.addf %get3A_302, %mul3A_353 : vector<16xf32>
          %sub3A_355 = arith.subf %add3A_354, %get3A_43 : vector<16xf32>
          %mul3A_356 = arith.constant 1.000000e-01 : f32
          %mul3A_357 = vector.broadcast %mul3A_356 : f32 to vector<16xf32>
          %mul3A_358 = arith.mulf %mul3A_357, %gather3A_248 : vector<16xf32>
          %add3A_359 = arith.addf %get3A_304, %mul3A_358 : vector<16xf32>
          %sub3A_360 = arith.subf %add3A_359, %get3A_47 : vector<16xf32>
          %mul3A_361 = arith.constant 1.000000e-01 : f32
          %mul3A_362 = vector.broadcast %mul3A_361 : f32 to vector<16xf32>
          %mul3A_363 = arith.mulf %mul3A_362, %gather3A_253 : vector<16xf32>
          %add3A_364 = arith.addf %get3A_306, %mul3A_363 : vector<16xf32>
          %sub3A_365 = arith.subf %add3A_364, %get3A_19 : vector<16xf32>
          %mul3A_366 = arith.constant 1.000000e-01 : f32
          %mul3A_367 = vector.broadcast %mul3A_366 : f32 to vector<16xf32>
          %mul3A_368 = arith.mulf %mul3A_367, %gather3A_258 : vector<16xf32>
          %add3A_369 = arith.addf %get3A_308, %mul3A_368 : vector<16xf32>
          %sub3A_370 = arith.subf %add3A_369, %get3A_23 : vector<16xf32>
          %mul3A_371 = arith.constant 1.000000e-01 : f32
          %mul3A_372 = vector.broadcast %mul3A_371 : f32 to vector<16xf32>
          %mul3A_373 = arith.mulf %mul3A_372, %gather3A_263 : vector<16xf32>
          %add3A_374 = arith.addf %get3A_310, %mul3A_373 : vector<16xf32>
          %sub3A_375 = arith.subf %add3A_374, %get3A_27 : vector<16xf32>
          %mul3A_376 = arith.constant 1.000000e-01 : f32
          %mul3A_377 = vector.broadcast %mul3A_376 : f32 to vector<16xf32>
          %mul3A_378 = arith.mulf %mul3A_377, %gather3A_268 : vector<16xf32>
          %add3A_379 = arith.addf %get3A_312, %mul3A_378 : vector<16xf32>
          %sub3A_380 = arith.subf %add3A_379, %get3A_31 : vector<16xf32>
          %mul3A_381 = arith.constant 1.000000e-01 : f32
          %mul3A_382 = vector.broadcast %mul3A_381 : f32 to vector<16xf32>
          %mul3A_383 = arith.mulf %mul3A_382, %gather3A_273 : vector<16xf32>
          %add3A_384 = arith.addf %get3A_314, %mul3A_383 : vector<16xf32>
          %sub3A_385 = arith.subf %add3A_384, %get3A_35 : vector<16xf32>
          %mul3A_386 = arith.constant 1.000000e-01 : f32
          %mul3A_387 = vector.broadcast %mul3A_386 : f32 to vector<16xf32>
          %mul3A_388 = arith.mulf %mul3A_387, %gather3A_278 : vector<16xf32>
          %add3A_389 = arith.addf %get3A_316, %mul3A_388 : vector<16xf32>
          %sub3A_390 = arith.subf %add3A_389, %get3A_39 : vector<16xf32>
          %mul3A_391 = arith.constant 1.000000e-01 : f32
          %mul3A_392 = vector.broadcast %mul3A_391 : f32 to vector<16xf32>
          %mul3A_393 = arith.mulf %mul3A_392, %gather3A_283 : vector<16xf32>
          %add3A_394 = arith.addf %get3A_318, %mul3A_393 : vector<16xf32>
          %sub3A_395 = arith.subf %add3A_394, %get3A_43 : vector<16xf32>
          %mul3A_396 = arith.constant 1.000000e-01 : f32
          %mul3A_397 = vector.broadcast %mul3A_396 : f32 to vector<16xf32>
          %mul3A_398 = arith.mulf %mul3A_397, %gather3A_288 : vector<16xf32>
          %add3A_399 = arith.addf %get3A_320, %mul3A_398 : vector<16xf32>
          %sub3A_400 = arith.subf %add3A_399, %get3A_47 : vector<16xf32>
          %swap3A = arith.index_cast %add3A_149 : i32 to index
          %swap3A_401 = tpu.vector_load %arg11[%swap3A] {strides = array<i32>} : memref<25600xf32, #tpu.memory_space<vmem>>, vector<16xf32>,
          tpu.vector_store %arg11[%swap3A], %sub3A_325 {strides = array<i32>} : memref<25600xf32, #tpu.memory_space<vmem>>, vector<16xf32>,
          %swap3A_402 = arith.index_cast %add3A_153 : i32 to index
          %swap3A_403 = tpu.vector_load %arg11[%swap3A_402] {strides = array<i32>} : memref<25600xf32, #tpu.memory_space<vmem>>, vector<16xf32>,
          tpu.vector_store %arg11[%swap3A_402], %sub3A_330 {strides = array<i32>} : memref<25600xf32, #tpu.memory_space<vmem>>, vector<16xf32>,
          %swap3A_404 = arith.index_cast %add3A_157 : i32 to index
          %swap3A_405 = tpu.vector_load %arg11[%swap3A_404] {strides = array<i32>} : memref<25600xf32, #tpu.memory_space<vmem>>, vector<16xf32>,
          tpu.vector_store %arg11[%swap3A_404], %sub3A_335 {strides = array<i32>} : memref<25600xf32, #tpu.memory_space<vmem>>, vector<16xf32>,
          %swap3A_406 = arith.index_cast %add3A_161 : i32 to index
          %swap3A_407 = tpu.vector_load %arg11[%swap3A_406] {strides = array<i32>} : memref<25600xf32, #tpu.memory_space<vmem>>, vector<16xf32>,
          tpu.vector_store %arg11[%swap3A_406], %sub3A_340 {strides = array<i32>} : memref<25600xf32, #tpu.memory_space<vmem>>, vector<16xf32>,
          %swap3A_408 = arith.index_cast %add3A_165 : i32 to index
          %swap3A_409 = tpu.vector_load %arg11[%swap3A_408] {strides = array<i32>} : memref<25600xf32, #tpu.memory_space<vmem>>, vector<16xf32>,
          tpu.vector_store %arg11[%swap3A_408], %sub3A_345 {strides = array<i32>} : memref<25600xf32, #tpu.memory_space<vmem>>, vector<16xf32>,
          %swap3A_410 = arith.index_cast %add3A_169 : i32 to index
          %swap3A_411 = tpu.vector_load %arg11[%swap3A_410] {strides = array<i32>} : memref<25600xf32, #tpu.memory_space<vmem>>, vector<16xf32>,
          tpu.vector_store %arg11[%swap3A_410], %sub3A_350 {strides = array<i32>} : memref<25600xf32, #tpu.memory_space<vmem>>, vector<16xf32>,
          %swap3A_412 = arith.index_cast %add3A_173 : i32 to index
          %swap3A_413 = tpu.vector_load %arg11[%swap3A_412] {strides = array<i32>} : memref<25600xf32, #tpu.memory_space<vmem>>, vector<16xf32>,
          tpu.vector_store %arg11[%swap3A_412], %sub3A_355 {strides = array<i32>} : memref<25600xf32, #tpu.memory_space<vmem>>, vector<16xf32>,
          %swap3A_414 = arith.index_cast %add3A_177 : i32 to index
          %swap3A_415 = tpu.vector_load %arg11[%swap3A_414] {strides = array<i32>} : memref<25600xf32, #tpu.memory_space<vmem>>, vector<16xf32>,
          tpu.vector_store %arg11[%swap3A_414], %sub3A_360 {strides = array<i32>} : memref<25600xf32, #tpu.memory_space<vmem>>, vector<16xf32>,
          %swap3A_416 = arith.index_cast %add3A_181 : i32 to index
          %swap3A_417 = tpu.vector_load %arg11[%swap3A_416] {strides = array<i32>} : memref<25600xf32, #tpu.memory_space<vmem>>, vector<16xf32>,
          tpu.vector_store %arg11[%swap3A_416], %sub3A_365 {strides = array<i32>} : memref<25600xf32, #tpu.memory_space<vmem>>, vector<16xf32>,
          %swap3A_418 = arith.index_cast %add3A_185 : i32 to index
          %swap3A_419 = tpu.vector_load %arg11[%swap3A_418] {strides = array<i32>} : memref<25600xf32, #tpu.memory_space<vmem>>, vector<16xf32>,
          tpu.vector_store %arg11[%swap3A_418], %sub3A_370 {strides = array<i32>} : memref<25600xf32, #tpu.memory_space<vmem>>, vector<16xf32>,
          %swap3A_420 = arith.index_cast %add3A_189 : i32 to index
          %swap3A_421 = tpu.vector_load %arg11[%swap3A_420] {strides = array<i32>} : memref<25600xf32, #tpu.memory_space<vmem>>, vector<16xf32>,
          tpu.vector_store %arg11[%swap3A_420], %sub3A_375 {strides = array<i32>} : memref<25600xf32, #tpu.memory_space<vmem>>, vector<16xf32>,
          %swap3A_422 = arith.index_cast %add3A_193 : i32 to index
          %swap3A_423 = tpu.vector_load %arg11[%swap3A_422] {strides = array<i32>} : memref<25600xf32, #tpu.memory_space<vmem>>, vector<16xf32>,
          tpu.vector_store %arg11[%swap3A_422], %sub3A_380 {strides = array<i32>} : memref<25600xf32, #tpu.memory_space<vmem>>, vector<16xf32>,
          %swap3A_424 = arith.index_cast %add3A_197 : i32 to index
          %swap3A_425 = tpu.vector_load %arg11[%swap3A_424] {strides = array<i32>} : memref<25600xf32, #tpu.memory_space<vmem>>, vector<16xf32>,
          tpu.vector_store %arg11[%swap3A_424], %sub3A_385 {strides = array<i32>} : memref<25600xf32, #tpu.memory_space<vmem>>, vector<16xf32>,
          %swap3A_426 = arith.index_cast %add3A_201 : i32 to index
          %swap3A_427 = tpu.vector_load %arg11[%swap3A_426] {strides = array<i32>} : memref<25600xf32, #tpu.memory_space<vmem>>, vector<16xf32>,
          tpu.vector_store %arg11[%swap3A_426], %sub3A_390 {strides = array<i32>} : memref<25600xf32, #tpu.memory_space<vmem>>, vector<16xf32>,
          %swap3A_428 = arith.index_cast %add3A_205 : i32 to index
          %swap3A_429 = tpu.vector_load %arg11[%swap3A_428] {strides = array<i32>} : memref<25600xf32, #tpu.memory_space<vmem>>, vector<16xf32>,
          tpu.vector_store %arg11[%swap3A_428], %sub3A_395 {strides = array<i32>} : memref<25600xf32, #tpu.memory_space<vmem>>, vector<16xf32>,
          %swap3A_430 = arith.index_cast %add3A_209 : i32 to index
          %swap3A_431 = tpu.vector_load %arg11[%swap3A_430] {strides = array<i32>} : memref<25600xf32, #tpu.memory_space<vmem>>, vector<16xf32>,
          tpu.vector_store %arg11[%swap3A_430], %sub3A_400 {strides = array<i32>} : memref<25600xf32, #tpu.memory_space<vmem>>, vector<16xf32>,
          %scan3A_432 = arith.constant 0 : i32
          scf.yield %scan3A_432 : i32
        }
        %scan3A_134 = arith.constant 100 : i32
        %mul3A_135 = arith.constant 32 : i32
        %mul3A_136 = arith.muli %mul3A_135, %while3A_73 : i32
        %add3A_137 = arith.addi %add3A, %mul3A_136 : i32
        %mul3A_138 = arith.constant 25600 : i32
        %mul3A_139 = arith.muli %add3A_137, %mul3A_138 : i32
        %dma_start3A_140 = tpu.memref_slice %arg5[%mul3A_139] : memref<12800000xf32, #tpu.memory_space<hbm>> -> memref<25600xf32, #tpu.memory_space<hbm>>
        %dma_start3A_141 = tpu.memref_slice %arg5[%mul3A_139] : memref<12800000xf32, #tpu.memory_space<hbm>> -> memref<25600xf32, #tpu.memory_space<hbm>>
        tpu.enqueue_dma source(%arg11 : memref<25600xf32, #tpu.memory_space<vmem>>) target(%dma_start3A_141 : memref<25600xf32, #tpu.memory_space<hbm>>) target_semaphore(%arg15 : memref<!tpu.dma_semaphore, #tpu.memory_space<semaphore_mem>>)
      } else {
      }
      %while3A_113 = arith.constant 0 : i32
      scf.yield %while3A_113 : i32
    }
    %while3A_64 = arith.constant 1 : i32
    %while3A_65 = scf.for %while3A_73 = %while3A_61 to %while3A_57 step %while3A_64 iter_args(%while3A_74 = %while3A_63) -> (i32)  : i32 {
      %jit3A_75 = arith.constant 2 : i32
      %eq3A = arith.constant 0 : i32
      %eq3A_76 = arith.cmpi eq, %jit3A_75, %eq3A : i32
      %jit3A_77 = arith.constant 1 : i32
      %select_n3A_78 = arith.select %eq3A_76, %jit3A_77, %jit3A_75 : i32
      %rem3A = arith.remsi %while3A_73, %select_n3A_78 : i32
      %ne3A = arith.constant 0 : i32
      %ne3A_79 = arith.cmpi ne, %rem3A, %ne3A : i32
      %lt3A_80 = arith.constant 0 : i32
      %lt3A_81 = arith.cmpi slt, %rem3A, %lt3A_80 : i32
      %lt3A_82 = arith.constant 0 : i32
      %lt3A_83 = arith.cmpi slt, %select_n3A_78, %lt3A_82 : i32
      %ne3A_84 = arith.xori %lt3A_81, %lt3A_83 : i1
      %and3A = arith.andi %ne3A_84, %ne3A_79 : i1
      %add3A_85 = arith.addi %rem3A, %select_n3A_78 : i32
      %select_n3A_86 = arith.select %and3A, %add3A_85, %rem3A : i32
      %eq3A_87 = arith.constant 0 : i32
      %eq3A_88 = arith.cmpi eq, %select_n3A_86, %eq3A_87 : i32
      %convert_element_type3A_89 = arith.extui %eq3A_88 : i1 to i32
      %cond3A_90 = arith.constant 0 : i32
      %cond3A_91 = arith.cmpi ne, %convert_element_type3A_89, %cond3A_90 : i32
      scf.if %cond3A_91 {
        %mul3A_114 = arith.constant 32 : i32
        %mul3A_115 = arith.muli %mul3A_114, %while3A_73 : i32
        %add3A_116 = arith.addi %add3A, %mul3A_115 : i32
        %mul3A_117 = arith.constant 25600 : i32
        %mul3A_118 = arith.muli %add3A_116, %mul3A_117 : i32
        %dma_wait3A = tpu.memref_slice %arg2[%mul3A_118] : memref<12800000xf32, #tpu.memory_space<hbm>> -> memref<25600xf32, #tpu.memory_space<hbm>>
        %dma_wait3A_119 = tpu.memref_slice %arg2[%mul3A_118] : memref<12800000xf32, #tpu.memory_space<hbm>> -> memref<25600xf32, #tpu.memory_space<hbm>>
        tpu.wait_dma2 semaphore(%arg12 : memref<!tpu.dma_semaphore, #tpu.memory_space<semaphore_mem>>) src(%dma_wait3A_119 : memref<25600xf32, #tpu.memory_space<hbm>>) dst(%arg8 : memref<25600xf32, #tpu.memory_space<vmem>>)
        %ge3A_120 = arith.constant 1 : i32
        %ge3A_121 = arith.cmpi sge, %while3A_73, %ge3A_120 : i32
        %convert_element_type3A_122 = arith.extui %ge3A_121 : i1 to i32
        %cond3A_123 = arith.constant 0 : i32
        %cond3A_124 = arith.cmpi ne, %convert_element_type3A_122, %cond3A_123 : i32
        scf.if %cond3A_124 {
          %sub3A_142 = arith.constant 1 : i32
          %sub3A_143 = arith.subi %while3A_73, %sub3A_142 : i32
          %mul3A_144 = arith.constant 32 : i32
          %mul3A_145 = arith.muli %mul3A_144, %sub3A_143 : i32
          %add3A_146 = arith.addi %add3A, %mul3A_145 : i32
          %mul3A_147 = arith.constant 25600 : i32
          %mul3A_148 = arith.muli %add3A_146, %mul3A_147 : i32
          %dma_wait3A_149 = tpu.memref_slice %arg5[%mul3A_148] : memref<12800000xf32, #tpu.memory_space<hbm>> -> memref<25600xf32, #tpu.memory_space<hbm>>
          %dma_wait3A_150 = tpu.memref_slice %arg5[%mul3A_148] : memref<12800000xf32, #tpu.memory_space<hbm>> -> memref<25600xf32, #tpu.memory_space<hbm>>
          tpu.wait_dma2 semaphore(%arg15 : memref<!tpu.dma_semaphore, #tpu.memory_space<semaphore_mem>>) src(%arg11 : memref<25600xf32, #tpu.memory_space<vmem>>) dst(%dma_wait3A_150 : memref<25600xf32, #tpu.memory_space<hbm>>)
        } else {
        }
        %sub3A = arith.constant 2 : i32
        %sub3A_125 = arith.subi %select_n3A, %sub3A : i32
        %le3A = arith.cmpi sle, %while3A_73, %sub3A_125 : i32
        %convert_element_type3A_126 = arith.extui %le3A : i1 to i32
        %cond3A_127 = arith.constant 0 : i32
        %cond3A_128 = arith.cmpi ne, %convert_element_type3A_126, %cond3A_127 : i32
        scf.if %cond3A_128 {
          %add3A_142 = arith.constant 1 : i32
          %add3A_143 = arith.addi %while3A_73, %add3A_142 : i32
          %mul3A_144 = arith.constant 32 : i32
          %mul3A_145 = arith.muli %mul3A_144, %add3A_143 : i32
          %add3A_146 = arith.addi %add3A, %mul3A_145 : i32
          %mul3A_147 = arith.constant 25600 : i32
          %mul3A_148 = arith.muli %add3A_146, %mul3A_147 : i32
          %dma_start3A_149 = tpu.memref_slice %arg2[%mul3A_148] : memref<12800000xf32, #tpu.memory_space<hbm>> -> memref<25600xf32, #tpu.memory_space<hbm>>
          %dma_start3A_150 = tpu.memref_slice %arg2[%mul3A_148] : memref<12800000xf32, #tpu.memory_space<hbm>> -> memref<25600xf32, #tpu.memory_space<hbm>>
          tpu.enqueue_dma source(%dma_start3A_150 : memref<25600xf32, #tpu.memory_space<hbm>>) target(%arg9 : memref<25600xf32, #tpu.memory_space<vmem>>) target_semaphore(%arg13 : memref<!tpu.dma_semaphore, #tpu.memory_space<semaphore_mem>>)
        } else {
        }
        %scan3A = arith.constant 0 : i32
        %scan3A_129 = arith.constant 0 : i32
        %scan3A_130 = arith.constant 100 : i32
        %scan3A_131 = arith.addi %scan3A_129, %scan3A_130 : i32
        %scan3A_132 = arith.constant 1 : i32
        %scan3A_133 = scf.for %scan3A_142 = %scan3A_129 to %scan3A_131 step %scan3A_132 iter_args(%scan3A_143 = %scan3A) -> (i32)  : i32 {
          %mul3A_144 = arith.constant 256 : i32
          %mul3A_145 = arith.muli %scan3A_142, %mul3A_144 : i32
          %add3A_146 = arith.constant 0 : i32
          %add3A_147 = arith.addi %mul3A_145, %add3A_146 : i32
          %add3A_148 = arith.constant 0 : i32
          %add3A_149 = arith.addi %add3A_147, %add3A_148 : i32
          %add3A_150 = arith.constant 0 : i32
          %add3A_151 = arith.addi %mul3A_145, %add3A_150 : i32
          %add3A_152 = arith.constant 16 : i32
          %add3A_153 = arith.addi %add3A_151, %add3A_152 : i32
          %add3A_154 = arith.constant 0 : i32
          %add3A_155 = arith.addi %mul3A_145, %add3A_154 : i32
          %add3A_156 = arith.constant 32 : i32
          %add3A_157 = arith.addi %add3A_155, %add3A_156 : i32
          %add3A_158 = arith.constant 0 : i32
          %add3A_159 = arith.addi %mul3A_145, %add3A_158 : i32
          %add3A_160 = arith.constant 48 : i32
          %add3A_161 = arith.addi %add3A_159, %add3A_160 : i32
          %add3A_162 = arith.constant 0 : i32
          %add3A_163 = arith.addi %mul3A_145, %add3A_162 : i32
          %add3A_164 = arith.constant 64 : i32
          %add3A_165 = arith.addi %add3A_163, %add3A_164 : i32
          %add3A_166 = arith.constant 0 : i32
          %add3A_167 = arith.addi %mul3A_145, %add3A_166 : i32
          %add3A_168 = arith.constant 80 : i32
          %add3A_169 = arith.addi %add3A_167, %add3A_168 : i32
          %add3A_170 = arith.constant 0 : i32
          %add3A_171 = arith.addi %mul3A_145, %add3A_170 : i32
          %add3A_172 = arith.constant 96 : i32
          %add3A_173 = arith.addi %add3A_171, %add3A_172 : i32
          %add3A_174 = arith.constant 0 : i32
          %add3A_175 = arith.addi %mul3A_145, %add3A_174 : i32
          %add3A_176 = arith.constant 112 : i32
          %add3A_177 = arith.addi %add3A_175, %add3A_176 : i32
          %add3A_178 = arith.constant 128 : i32
          %add3A_179 = arith.addi %mul3A_145, %add3A_178 : i32
          %add3A_180 = arith.constant 0 : i32
          %add3A_181 = arith.addi %add3A_179, %add3A_180 : i32
          %add3A_182 = arith.constant 128 : i32
          %add3A_183 = arith.addi %mul3A_145, %add3A_182 : i32
          %add3A_184 = arith.constant 16 : i32
          %add3A_185 = arith.addi %add3A_183, %add3A_184 : i32
          %add3A_186 = arith.constant 128 : i32
          %add3A_187 = arith.addi %mul3A_145, %add3A_186 : i32
          %add3A_188 = arith.constant 32 : i32
          %add3A_189 = arith.addi %add3A_187, %add3A_188 : i32
          %add3A_190 = arith.constant 128 : i32
          %add3A_191 = arith.addi %mul3A_145, %add3A_190 : i32
          %add3A_192 = arith.constant 48 : i32
          %add3A_193 = arith.addi %add3A_191, %add3A_192 : i32
          %add3A_194 = arith.constant 128 : i32
          %add3A_195 = arith.addi %mul3A_145, %add3A_194 : i32
          %add3A_196 = arith.constant 64 : i32
          %add3A_197 = arith.addi %add3A_195, %add3A_196 : i32
          %add3A_198 = arith.constant 128 : i32
          %add3A_199 = arith.addi %mul3A_145, %add3A_198 : i32
          %add3A_200 = arith.constant 80 : i32
          %add3A_201 = arith.addi %add3A_199, %add3A_200 : i32
          %add3A_202 = arith.constant 128 : i32
          %add3A_203 = arith.addi %mul3A_145, %add3A_202 : i32
          %add3A_204 = arith.constant 96 : i32
          %add3A_205 = arith.addi %add3A_203, %add3A_204 : i32
          %add3A_206 = arith.constant 128 : i32
          %add3A_207 = arith.addi %mul3A_145, %add3A_206 : i32
          %add3A_208 = arith.constant 112 : i32
          %add3A_209 = arith.addi %add3A_207, %add3A_208 : i32
          %add3A_210 = arith.constant 0 : i32
          %add3A_211 = arith.addi %mul3A_145, %add3A_210 : i32
          %add3A_212 = vector.broadcast %add3A_211 : i32 to vector<16xi32>
          %add3A_213 = arith.addi %add3A_212, %get3A_1 : vector<16xi32>
          %gather3A = tpu.vector_load_idx %arg8[%add3A_213] : memref<25600xf32, #tpu.memory_space<vmem>>[vector<16xi32>], vector<16xf32>,
          %add3A_214 = arith.constant 0 : i32
          %add3A_215 = arith.addi %mul3A_145, %add3A_214 : i32
          %add3A_216 = vector.broadcast %add3A_215 : i32 to vector<16xi32>
          %add3A_217 = arith.addi %add3A_216, %get3A_3 : vector<16xi32>
          %gather3A_218 = tpu.vector_load_idx %arg8[%add3A_217] : memref<25600xf32, #tpu.memory_space<vmem>>[vector<16xi32>], vector<16xf32>,
          %add3A_219 = arith.constant 0 : i32
          %add3A_220 = arith.addi %mul3A_145, %add3A_219 : i32
          %add3A_221 = vector.broadcast %add3A_220 : i32 to vector<16xi32>
          %add3A_222 = arith.addi %add3A_221, %get3A_5 : vector<16xi32>
          %gather3A_223 = tpu.vector_load_idx %arg8[%add3A_222] : memref<25600xf32, #tpu.memory_space<vmem>>[vector<16xi32>], vector<16xf32>,
          %add3A_224 = arith.constant 0 : i32
          %add3A_225 = arith.addi %mul3A_145, %add3A_224 : i32
          %add3A_226 = vector.broadcast %add3A_225 : i32 to vector<16xi32>
          %add3A_227 = arith.addi %add3A_226, %get3A_7 : vector<16xi32>
          %gather3A_228 = tpu.vector_load_idx %arg8[%add3A_227] : memref<25600xf32, #tpu.memory_space<vmem>>[vector<16xi32>], vector<16xf32>,
          %add3A_229 = arith.constant 0 : i32
          %add3A_230 = arith.addi %mul3A_145, %add3A_229 : i32
          %add3A_231 = vector.broadcast %add3A_230 : i32 to vector<16xi32>
          %add3A_232 = arith.addi %add3A_231, %get3A_9 : vector<16xi32>
          %gather3A_233 = tpu.vector_load_idx %arg8[%add3A_232] : memref<25600xf32, #tpu.memory_space<vmem>>[vector<16xi32>], vector<16xf32>,
          %add3A_234 = arith.constant 0 : i32
          %add3A_235 = arith.addi %mul3A_145, %add3A_234 : i32
          %add3A_236 = vector.broadcast %add3A_235 : i32 to vector<16xi32>
          %add3A_237 = arith.addi %add3A_236, %get3A_11 : vector<16xi32>
          %gather3A_238 = tpu.vector_load_idx %arg8[%add3A_237] : memref<25600xf32, #tpu.memory_space<vmem>>[vector<16xi32>], vector<16xf32>,
          %add3A_239 = arith.constant 0 : i32
          %add3A_240 = arith.addi %mul3A_145, %add3A_239 : i32
          %add3A_241 = vector.broadcast %add3A_240 : i32 to vector<16xi32>
          %add3A_242 = arith.addi %add3A_241, %get3A_13 : vector<16xi32>
          %gather3A_243 = tpu.vector_load_idx %arg8[%add3A_242] : memref<25600xf32, #tpu.memory_space<vmem>>[vector<16xi32>], vector<16xf32>,
          %add3A_244 = arith.constant 0 : i32
          %add3A_245 = arith.addi %mul3A_145, %add3A_244 : i32
          %add3A_246 = vector.broadcast %add3A_245 : i32 to vector<16xi32>
          %add3A_247 = arith.addi %add3A_246, %get3A_15 : vector<16xi32>
          %gather3A_248 = tpu.vector_load_idx %arg8[%add3A_247] : memref<25600xf32, #tpu.memory_space<vmem>>[vector<16xi32>], vector<16xf32>,
          %add3A_249 = arith.constant 128 : i32
          %add3A_250 = arith.addi %mul3A_145, %add3A_249 : i32
          %add3A_251 = vector.broadcast %add3A_250 : i32 to vector<16xi32>
          %add3A_252 = arith.addi %add3A_251, %get3A_1 : vector<16xi32>
          %gather3A_253 = tpu.vector_load_idx %arg8[%add3A_252] : memref<25600xf32, #tpu.memory_space<vmem>>[vector<16xi32>], vector<16xf32>,
          %add3A_254 = arith.constant 128 : i32
          %add3A_255 = arith.addi %mul3A_145, %add3A_254 : i32
          %add3A_256 = vector.broadcast %add3A_255 : i32 to vector<16xi32>
          %add3A_257 = arith.addi %add3A_256, %get3A_3 : vector<16xi32>
          %gather3A_258 = tpu.vector_load_idx %arg8[%add3A_257] : memref<25600xf32, #tpu.memory_space<vmem>>[vector<16xi32>], vector<16xf32>,
          %add3A_259 = arith.constant 128 : i32
          %add3A_260 = arith.addi %mul3A_145, %add3A_259 : i32
          %add3A_261 = vector.broadcast %add3A_260 : i32 to vector<16xi32>
          %add3A_262 = arith.addi %add3A_261, %get3A_5 : vector<16xi32>
          %gather3A_263 = tpu.vector_load_idx %arg8[%add3A_262] : memref<25600xf32, #tpu.memory_space<vmem>>[vector<16xi32>], vector<16xf32>,
          %add3A_264 = arith.constant 128 : i32
          %add3A_265 = arith.addi %mul3A_145, %add3A_264 : i32
          %add3A_266 = vector.broadcast %add3A_265 : i32 to vector<16xi32>
          %add3A_267 = arith.addi %add3A_266, %get3A_7 : vector<16xi32>
          %gather3A_268 = tpu.vector_load_idx %arg8[%add3A_267] : memref<25600xf32, #tpu.memory_space<vmem>>[vector<16xi32>], vector<16xf32>,
          %add3A_269 = arith.constant 128 : i32
          %add3A_270 = arith.addi %mul3A_145, %add3A_269 : i32
          %add3A_271 = vector.broadcast %add3A_270 : i32 to vector<16xi32>
          %add3A_272 = arith.addi %add3A_271, %get3A_9 : vector<16xi32>
          %gather3A_273 = tpu.vector_load_idx %arg8[%add3A_272] : memref<25600xf32, #tpu.memory_space<vmem>>[vector<16xi32>], vector<16xf32>,
          %add3A_274 = arith.constant 128 : i32
          %add3A_275 = arith.addi %mul3A_145, %add3A_274 : i32
          %add3A_276 = vector.broadcast %add3A_275 : i32 to vector<16xi32>
          %add3A_277 = arith.addi %add3A_276, %get3A_11 : vector<16xi32>
          %gather3A_278 = tpu.vector_load_idx %arg8[%add3A_277] : memref<25600xf32, #tpu.memory_space<vmem>>[vector<16xi32>], vector<16xf32>,
          %add3A_279 = arith.constant 128 : i32
          %add3A_280 = arith.addi %mul3A_145, %add3A_279 : i32
          %add3A_281 = vector.broadcast %add3A_280 : i32 to vector<16xi32>
          %add3A_282 = arith.addi %add3A_281, %get3A_13 : vector<16xi32>
          %gather3A_283 = tpu.vector_load_idx %arg8[%add3A_282] : memref<25600xf32, #tpu.memory_space<vmem>>[vector<16xi32>], vector<16xf32>,
          %add3A_284 = arith.constant 128 : i32
          %add3A_285 = arith.addi %mul3A_145, %add3A_284 : i32
          %add3A_286 = vector.broadcast %add3A_285 : i32 to vector<16xi32>
          %add3A_287 = arith.addi %add3A_286, %get3A_15 : vector<16xi32>
          %gather3A_288 = tpu.vector_load_idx %arg8[%add3A_287] : memref<25600xf32, #tpu.memory_space<vmem>>[vector<16xi32>], vector<16xf32>,
          %get3A_289 = arith.index_cast %add3A_149 : i32 to index
          %get3A_290 = tpu.vector_load %arg8[%get3A_289] {strides = array<i32>} : memref<25600xf32, #tpu.memory_space<vmem>>, vector<16xf32>,
          %get3A_291 = arith.index_cast %add3A_153 : i32 to index
          %get3A_292 = tpu.vector_load %arg8[%get3A_291] {strides = array<i32>} : memref<25600xf32, #tpu.memory_space<vmem>>, vector<16xf32>,
          %get3A_293 = arith.index_cast %add3A_157 : i32 to index
          %get3A_294 = tpu.vector_load %arg8[%get3A_293] {strides = array<i32>} : memref<25600xf32, #tpu.memory_space<vmem>>, vector<16xf32>,
          %get3A_295 = arith.index_cast %add3A_161 : i32 to index
          %get3A_296 = tpu.vector_load %arg8[%get3A_295] {strides = array<i32>} : memref<25600xf32, #tpu.memory_space<vmem>>, vector<16xf32>,
          %get3A_297 = arith.index_cast %add3A_165 : i32 to index
          %get3A_298 = tpu.vector_load %arg8[%get3A_297] {strides = array<i32>} : memref<25600xf32, #tpu.memory_space<vmem>>, vector<16xf32>,
          %get3A_299 = arith.index_cast %add3A_169 : i32 to index
          %get3A_300 = tpu.vector_load %arg8[%get3A_299] {strides = array<i32>} : memref<25600xf32, #tpu.memory_space<vmem>>, vector<16xf32>,
          %get3A_301 = arith.index_cast %add3A_173 : i32 to index
          %get3A_302 = tpu.vector_load %arg8[%get3A_301] {strides = array<i32>} : memref<25600xf32, #tpu.memory_space<vmem>>, vector<16xf32>,
          %get3A_303 = arith.index_cast %add3A_177 : i32 to index
          %get3A_304 = tpu.vector_load %arg8[%get3A_303] {strides = array<i32>} : memref<25600xf32, #tpu.memory_space<vmem>>, vector<16xf32>,
          %get3A_305 = arith.index_cast %add3A_181 : i32 to index
          %get3A_306 = tpu.vector_load %arg8[%get3A_305] {strides = array<i32>} : memref<25600xf32, #tpu.memory_space<vmem>>, vector<16xf32>,
          %get3A_307 = arith.index_cast %add3A_185 : i32 to index
          %get3A_308 = tpu.vector_load %arg8[%get3A_307] {strides = array<i32>} : memref<25600xf32, #tpu.memory_space<vmem>>, vector<16xf32>,
          %get3A_309 = arith.index_cast %add3A_189 : i32 to index
          %get3A_310 = tpu.vector_load %arg8[%get3A_309] {strides = array<i32>} : memref<25600xf32, #tpu.memory_space<vmem>>, vector<16xf32>,
          %get3A_311 = arith.index_cast %add3A_193 : i32 to index
          %get3A_312 = tpu.vector_load %arg8[%get3A_311] {strides = array<i32>} : memref<25600xf32, #tpu.memory_space<vmem>>, vector<16xf32>,
          %get3A_313 = arith.index_cast %add3A_197 : i32 to index
          %get3A_314 = tpu.vector_load %arg8[%get3A_313] {strides = array<i32>} : memref<25600xf32, #tpu.memory_space<vmem>>, vector<16xf32>,
          %get3A_315 = arith.index_cast %add3A_201 : i32 to index
          %get3A_316 = tpu.vector_load %arg8[%get3A_315] {strides = array<i32>} : memref<25600xf32, #tpu.memory_space<vmem>>, vector<16xf32>,
          %get3A_317 = arith.index_cast %add3A_205 : i32 to index
          %get3A_318 = tpu.vector_load %arg8[%get3A_317] {strides = array<i32>} : memref<25600xf32, #tpu.memory_space<vmem>>, vector<16xf32>,
          %get3A_319 = arith.index_cast %add3A_209 : i32 to index
          %get3A_320 = tpu.vector_load %arg8[%get3A_319] {strides = array<i32>} : memref<25600xf32, #tpu.memory_space<vmem>>, vector<16xf32>,
          %mul3A_321 = arith.constant 1.000000e-01 : f32
          %mul3A_322 = vector.broadcast %mul3A_321 : f32 to vector<16xf32>
          %mul3A_323 = arith.mulf %mul3A_322, %gather3A : vector<16xf32>
          %add3A_324 = arith.addf %get3A_290, %mul3A_323 : vector<16xf32>
          %sub3A_325 = arith.subf %add3A_324, %get3A_19 : vector<16xf32>
          %mul3A_326 = arith.constant 1.000000e-01 : f32
          %mul3A_327 = vector.broadcast %mul3A_326 : f32 to vector<16xf32>
          %mul3A_328 = arith.mulf %mul3A_327, %gather3A_218 : vector<16xf32>
          %add3A_329 = arith.addf %get3A_292, %mul3A_328 : vector<16xf32>
          %sub3A_330 = arith.subf %add3A_329, %get3A_23 : vector<16xf32>
          %mul3A_331 = arith.constant 1.000000e-01 : f32
          %mul3A_332 = vector.broadcast %mul3A_331 : f32 to vector<16xf32>
          %mul3A_333 = arith.mulf %mul3A_332, %gather3A_223 : vector<16xf32>
          %add3A_334 = arith.addf %get3A_294, %mul3A_333 : vector<16xf32>
          %sub3A_335 = arith.subf %add3A_334, %get3A_27 : vector<16xf32>
          %mul3A_336 = arith.constant 1.000000e-01 : f32
          %mul3A_337 = vector.broadcast %mul3A_336 : f32 to vector<16xf32>
          %mul3A_338 = arith.mulf %mul3A_337, %gather3A_228 : vector<16xf32>
          %add3A_339 = arith.addf %get3A_296, %mul3A_338 : vector<16xf32>
          %sub3A_340 = arith.subf %add3A_339, %get3A_31 : vector<16xf32>
          %mul3A_341 = arith.constant 1.000000e-01 : f32
          %mul3A_342 = vector.broadcast %mul3A_341 : f32 to vector<16xf32>
          %mul3A_343 = arith.mulf %mul3A_342, %gather3A_233 : vector<16xf32>
          %add3A_344 = arith.addf %get3A_298, %mul3A_343 : vector<16xf32>
          %sub3A_345 = arith.subf %add3A_344, %get3A_35 : vector<16xf32>
          %mul3A_346 = arith.constant 1.000000e-01 : f32
          %mul3A_347 = vector.broadcast %mul3A_346 : f32 to vector<16xf32>
          %mul3A_348 = arith.mulf %mul3A_347, %gather3A_238 : vector<16xf32>
          %add3A_349 = arith.addf %get3A_300, %mul3A_348 : vector<16xf32>
          %sub3A_350 = arith.subf %add3A_349, %get3A_39 : vector<16xf32>
          %mul3A_351 = arith.constant 1.000000e-01 : f32
          %mul3A_352 = vector.broadcast %mul3A_351 : f32 to vector<16xf32>
          %mul3A_353 = arith.mulf %mul3A_352, %gather3A_243 : vector<16xf32>
          %add3A_354 = arith.addf %get3A_302, %mul3A_353 : vector<16xf32>
          %sub3A_355 = arith.subf %add3A_354, %get3A_43 : vector<16xf32>
          %mul3A_356 = arith.constant 1.000000e-01 : f32
          %mul3A_357 = vector.broadcast %mul3A_356 : f32 to vector<16xf32>
          %mul3A_358 = arith.mulf %mul3A_357, %gather3A_248 : vector<16xf32>
          %add3A_359 = arith.addf %get3A_304, %mul3A_358 : vector<16xf32>
          %sub3A_360 = arith.subf %add3A_359, %get3A_47 : vector<16xf32>
          %mul3A_361 = arith.constant 1.000000e-01 : f32
          %mul3A_362 = vector.broadcast %mul3A_361 : f32 to vector<16xf32>
          %mul3A_363 = arith.mulf %mul3A_362, %gather3A_253 : vector<16xf32>
          %add3A_364 = arith.addf %get3A_306, %mul3A_363 : vector<16xf32>
          %sub3A_365 = arith.subf %add3A_364, %get3A_19 : vector<16xf32>
          %mul3A_366 = arith.constant 1.000000e-01 : f32
          %mul3A_367 = vector.broadcast %mul3A_366 : f32 to vector<16xf32>
          %mul3A_368 = arith.mulf %mul3A_367, %gather3A_258 : vector<16xf32>
          %add3A_369 = arith.addf %get3A_308, %mul3A_368 : vector<16xf32>
          %sub3A_370 = arith.subf %add3A_369, %get3A_23 : vector<16xf32>
          %mul3A_371 = arith.constant 1.000000e-01 : f32
          %mul3A_372 = vector.broadcast %mul3A_371 : f32 to vector<16xf32>
          %mul3A_373 = arith.mulf %mul3A_372, %gather3A_263 : vector<16xf32>
          %add3A_374 = arith.addf %get3A_310, %mul3A_373 : vector<16xf32>
          %sub3A_375 = arith.subf %add3A_374, %get3A_27 : vector<16xf32>
          %mul3A_376 = arith.constant 1.000000e-01 : f32
          %mul3A_377 = vector.broadcast %mul3A_376 : f32 to vector<16xf32>
          %mul3A_378 = arith.mulf %mul3A_377, %gather3A_268 : vector<16xf32>
          %add3A_379 = arith.addf %get3A_312, %mul3A_378 : vector<16xf32>
          %sub3A_380 = arith.subf %add3A_379, %get3A_31 : vector<16xf32>
          %mul3A_381 = arith.constant 1.000000e-01 : f32
          %mul3A_382 = vector.broadcast %mul3A_381 : f32 to vector<16xf32>
          %mul3A_383 = arith.mulf %mul3A_382, %gather3A_273 : vector<16xf32>
          %add3A_384 = arith.addf %get3A_314, %mul3A_383 : vector<16xf32>
          %sub3A_385 = arith.subf %add3A_384, %get3A_35 : vector<16xf32>
          %mul3A_386 = arith.constant 1.000000e-01 : f32
          %mul3A_387 = vector.broadcast %mul3A_386 : f32 to vector<16xf32>
          %mul3A_388 = arith.mulf %mul3A_387, %gather3A_278 : vector<16xf32>
          %add3A_389 = arith.addf %get3A_316, %mul3A_388 : vector<16xf32>
          %sub3A_390 = arith.subf %add3A_389, %get3A_39 : vector<16xf32>
          %mul3A_391 = arith.constant 1.000000e-01 : f32
          %mul3A_392 = vector.broadcast %mul3A_391 : f32 to vector<16xf32>
          %mul3A_393 = arith.mulf %mul3A_392, %gather3A_283 : vector<16xf32>
          %add3A_394 = arith.addf %get3A_318, %mul3A_393 : vector<16xf32>
          %sub3A_395 = arith.subf %add3A_394, %get3A_43 : vector<16xf32>
          %mul3A_396 = arith.constant 1.000000e-01 : f32
          %mul3A_397 = vector.broadcast %mul3A_396 : f32 to vector<16xf32>
          %mul3A_398 = arith.mulf %mul3A_397, %gather3A_288 : vector<16xf32>
          %add3A_399 = arith.addf %get3A_320, %mul3A_398 : vector<16xf32>
          %sub3A_400 = arith.subf %add3A_399, %get3A_47 : vector<16xf32>
          %swap3A = arith.index_cast %add3A_149 : i32 to index
          %swap3A_401 = tpu.vector_load %arg10[%swap3A] {strides = array<i32>} : memref<25600xf32, #tpu.memory_space<vmem>>, vector<16xf32>,
          tpu.vector_store %arg10[%swap3A], %sub3A_325 {strides = array<i32>} : memref<25600xf32, #tpu.memory_space<vmem>>, vector<16xf32>,
          %swap3A_402 = arith.index_cast %add3A_153 : i32 to index
          %swap3A_403 = tpu.vector_load %arg10[%swap3A_402] {strides = array<i32>} : memref<25600xf32, #tpu.memory_space<vmem>>, vector<16xf32>,
          tpu.vector_store %arg10[%swap3A_402], %sub3A_330 {strides = array<i32>} : memref<25600xf32, #tpu.memory_space<vmem>>, vector<16xf32>,
          %swap3A_404 = arith.index_cast %add3A_157 : i32 to index
          %swap3A_405 = tpu.vector_load %arg10[%swap3A_404] {strides = array<i32>} : memref<25600xf32, #tpu.memory_space<vmem>>, vector<16xf32>,
          tpu.vector_store %arg10[%swap3A_404], %sub3A_335 {strides = array<i32>} : memref<25600xf32, #tpu.memory_space<vmem>>, vector<16xf32>,
          %swap3A_406 = arith.index_cast %add3A_161 : i32 to index
          %swap3A_407 = tpu.vector_load %arg10[%swap3A_406] {strides = array<i32>} : memref<25600xf32, #tpu.memory_space<vmem>>, vector<16xf32>,
          tpu.vector_store %arg10[%swap3A_406], %sub3A_340 {strides = array<i32>} : memref<25600xf32, #tpu.memory_space<vmem>>, vector<16xf32>,
          %swap3A_408 = arith.index_cast %add3A_165 : i32 to index
          %swap3A_409 = tpu.vector_load %arg10[%swap3A_408] {strides = array<i32>} : memref<25600xf32, #tpu.memory_space<vmem>>, vector<16xf32>,
          tpu.vector_store %arg10[%swap3A_408], %sub3A_345 {strides = array<i32>} : memref<25600xf32, #tpu.memory_space<vmem>>, vector<16xf32>,
          %swap3A_410 = arith.index_cast %add3A_169 : i32 to index
          %swap3A_411 = tpu.vector_load %arg10[%swap3A_410] {strides = array<i32>} : memref<25600xf32, #tpu.memory_space<vmem>>, vector<16xf32>,
          tpu.vector_store %arg10[%swap3A_410], %sub3A_350 {strides = array<i32>} : memref<25600xf32, #tpu.memory_space<vmem>>, vector<16xf32>,
          %swap3A_412 = arith.index_cast %add3A_173 : i32 to index
          %swap3A_413 = tpu.vector_load %arg10[%swap3A_412] {strides = array<i32>} : memref<25600xf32, #tpu.memory_space<vmem>>, vector<16xf32>,
          tpu.vector_store %arg10[%swap3A_412], %sub3A_355 {strides = array<i32>} : memref<25600xf32, #tpu.memory_space<vmem>>, vector<16xf32>,
          %swap3A_414 = arith.index_cast %add3A_177 : i32 to index
          %swap3A_415 = tpu.vector_load %arg10[%swap3A_414] {strides = array<i32>} : memref<25600xf32, #tpu.memory_space<vmem>>, vector<16xf32>,
          tpu.vector_store %arg10[%swap3A_414], %sub3A_360 {strides = array<i32>} : memref<25600xf32, #tpu.memory_space<vmem>>, vector<16xf32>,
          %swap3A_416 = arith.index_cast %add3A_181 : i32 to index
          %swap3A_417 = tpu.vector_load %arg10[%swap3A_416] {strides = array<i32>} : memref<25600xf32, #tpu.memory_space<vmem>>, vector<16xf32>,
          tpu.vector_store %arg10[%swap3A_416], %sub3A_365 {strides = array<i32>} : memref<25600xf32, #tpu.memory_space<vmem>>, vector<16xf32>,
          %swap3A_418 = arith.index_cast %add3A_185 : i32 to index
          %swap3A_419 = tpu.vector_load %arg10[%swap3A_418] {strides = array<i32>} : memref<25600xf32, #tpu.memory_space<vmem>>, vector<16xf32>,
          tpu.vector_store %arg10[%swap3A_418], %sub3A_370 {strides = array<i32>} : memref<25600xf32, #tpu.memory_space<vmem>>, vector<16xf32>,
          %swap3A_420 = arith.index_cast %add3A_189 : i32 to index
          %swap3A_421 = tpu.vector_load %arg10[%swap3A_420] {strides = array<i32>} : memref<25600xf32, #tpu.memory_space<vmem>>, vector<16xf32>,
          tpu.vector_store %arg10[%swap3A_420], %sub3A_375 {strides = array<i32>} : memref<25600xf32, #tpu.memory_space<vmem>>, vector<16xf32>,
          %swap3A_422 = arith.index_cast %add3A_193 : i32 to index
          %swap3A_423 = tpu.vector_load %arg10[%swap3A_422] {strides = array<i32>} : memref<25600xf32, #tpu.memory_space<vmem>>, vector<16xf32>,
          tpu.vector_store %arg10[%swap3A_422], %sub3A_380 {strides = array<i32>} : memref<25600xf32, #tpu.memory_space<vmem>>, vector<16xf32>,
          %swap3A_424 = arith.index_cast %add3A_197 : i32 to index
          %swap3A_425 = tpu.vector_load %arg10[%swap3A_424] {strides = array<i32>} : memref<25600xf32, #tpu.memory_space<vmem>>, vector<16xf32>,
          tpu.vector_store %arg10[%swap3A_424], %sub3A_385 {strides = array<i32>} : memref<25600xf32, #tpu.memory_space<vmem>>, vector<16xf32>,
          %swap3A_426 = arith.index_cast %add3A_201 : i32 to index
          %swap3A_427 = tpu.vector_load %arg10[%swap3A_426] {strides = array<i32>} : memref<25600xf32, #tpu.memory_space<vmem>>, vector<16xf32>,
          tpu.vector_store %arg10[%swap3A_426], %sub3A_390 {strides = array<i32>} : memref<25600xf32, #tpu.memory_space<vmem>>, vector<16xf32>,
          %swap3A_428 = arith.index_cast %add3A_205 : i32 to index
          %swap3A_429 = tpu.vector_load %arg10[%swap3A_428] {strides = array<i32>} : memref<25600xf32, #tpu.memory_space<vmem>>, vector<16xf32>,
          tpu.vector_store %arg10[%swap3A_428], %sub3A_395 {strides = array<i32>} : memref<25600xf32, #tpu.memory_space<vmem>>, vector<16xf32>,
          %swap3A_430 = arith.index_cast %add3A_209 : i32 to index
          %swap3A_431 = tpu.vector_load %arg10[%swap3A_430] {strides = array<i32>} : memref<25600xf32, #tpu.memory_space<vmem>>, vector<16xf32>,
          tpu.vector_store %arg10[%swap3A_430], %sub3A_400 {strides = array<i32>} : memref<25600xf32, #tpu.memory_space<vmem>>, vector<16xf32>,
          %scan3A_432 = arith.constant 0 : i32
          scf.yield %scan3A_432 : i32
        }
        %scan3A_134 = arith.constant 100 : i32
        %mul3A_135 = arith.constant 32 : i32
        %mul3A_136 = arith.muli %mul3A_135, %while3A_73 : i32
        %add3A_137 = arith.addi %add3A, %mul3A_136 : i32
        %mul3A_138 = arith.constant 25600 : i32
        %mul3A_139 = arith.muli %add3A_137, %mul3A_138 : i32
        %dma_start3A_140 = tpu.memref_slice %arg5[%mul3A_139] : memref<12800000xf32, #tpu.memory_space<hbm>> -> memref<25600xf32, #tpu.memory_space<hbm>>
        %dma_start3A_141 = tpu.memref_slice %arg5[%mul3A_139] : memref<12800000xf32, #tpu.memory_space<hbm>> -> memref<25600xf32, #tpu.memory_space<hbm>>
        tpu.enqueue_dma source(%arg10 : memref<25600xf32, #tpu.memory_space<vmem>>) target(%dma_start3A_141 : memref<25600xf32, #tpu.memory_space<hbm>>) target_semaphore(%arg14 : memref<!tpu.dma_semaphore, #tpu.memory_space<semaphore_mem>>)
      } else {
      }
      %jit3A_92 = arith.constant 2 : i32
      %eq3A_93 = arith.constant 0 : i32
      %eq3A_94 = arith.cmpi eq, %jit3A_92, %eq3A_93 : i32
      %jit3A_95 = arith.constant 1 : i32
      %select_n3A_96 = arith.select %eq3A_94, %jit3A_95, %jit3A_92 : i32
      %rem3A_97 = arith.remsi %while3A_73, %select_n3A_96 : i32
      %ne3A_98 = arith.constant 0 : i32
      %ne3A_99 = arith.cmpi ne, %rem3A_97, %ne3A_98 : i32
      %lt3A_100 = arith.constant 0 : i32
      %lt3A_101 = arith.cmpi slt, %rem3A_97, %lt3A_100 : i32
      %lt3A_102 = arith.constant 0 : i32
      %lt3A_103 = arith.cmpi slt, %select_n3A_96, %lt3A_102 : i32
      %ne3A_104 = arith.xori %lt3A_101, %lt3A_103 : i1
      %and3A_105 = arith.andi %ne3A_104, %ne3A_99 : i1
      %add3A_106 = arith.addi %rem3A_97, %select_n3A_96 : i32
      %select_n3A_107 = arith.select %and3A_105, %add3A_106, %rem3A_97 : i32
      %eq3A_108 = arith.constant 1 : i32
      %eq3A_109 = arith.cmpi eq, %select_n3A_107, %eq3A_108 : i32
      %convert_element_type3A_110 = arith.extui %eq3A_109 : i1 to i32
      %cond3A_111 = arith.constant 0 : i32
      %cond3A_112 = arith.cmpi ne, %convert_element_type3A_110, %cond3A_111 : i32
      scf.if %cond3A_112 {
        %mul3A_114 = arith.constant 32 : i32
        %mul3A_115 = arith.muli %mul3A_114, %while3A_73 : i32
        %add3A_116 = arith.addi %add3A, %mul3A_115 : i32
        %mul3A_117 = arith.constant 25600 : i32
        %mul3A_118 = arith.muli %add3A_116, %mul3A_117 : i32
        %dma_wait3A = tpu.memref_slice %arg2[%mul3A_118] : memref<12800000xf32, #tpu.memory_space<hbm>> -> memref<25600xf32, #tpu.memory_space<hbm>>
        %dma_wait3A_119 = tpu.memref_slice %arg2[%mul3A_118] : memref<12800000xf32, #tpu.memory_space<hbm>> -> memref<25600xf32, #tpu.memory_space<hbm>>
        tpu.wait_dma2 semaphore(%arg13 : memref<!tpu.dma_semaphore, #tpu.memory_space<semaphore_mem>>) src(%dma_wait3A_119 : memref<25600xf32, #tpu.memory_space<hbm>>) dst(%arg9 : memref<25600xf32, #tpu.memory_space<vmem>>)
        %ge3A_120 = arith.constant 1 : i32
        %ge3A_121 = arith.cmpi sge, %while3A_73, %ge3A_120 : i32
        %convert_element_type3A_122 = arith.extui %ge3A_121 : i1 to i32
        %cond3A_123 = arith.constant 0 : i32
        %cond3A_124 = arith.cmpi ne, %convert_element_type3A_122, %cond3A_123 : i32
        scf.if %cond3A_124 {
          %sub3A_142 = arith.constant 1 : i32
          %sub3A_143 = arith.subi %while3A_73, %sub3A_142 : i32
          %mul3A_144 = arith.constant 32 : i32
          %mul3A_145 = arith.muli %mul3A_144, %sub3A_143 : i32
          %add3A_146 = arith.addi %add3A, %mul3A_145 : i32
          %mul3A_147 = arith.constant 25600 : i32
          %mul3A_148 = arith.muli %add3A_146, %mul3A_147 : i32
          %dma_wait3A_149 = tpu.memref_slice %arg5[%mul3A_148] : memref<12800000xf32, #tpu.memory_space<hbm>> -> memref<25600xf32, #tpu.memory_space<hbm>>
          %dma_wait3A_150 = tpu.memref_slice %arg5[%mul3A_148] : memref<12800000xf32, #tpu.memory_space<hbm>> -> memref<25600xf32, #tpu.memory_space<hbm>>
          tpu.wait_dma2 semaphore(%arg14 : memref<!tpu.dma_semaphore, #tpu.memory_space<semaphore_mem>>) src(%arg10 : memref<25600xf32, #tpu.memory_space<vmem>>) dst(%dma_wait3A_150 : memref<25600xf32, #tpu.memory_space<hbm>>)
        } else {
        }
        %sub3A = arith.constant 2 : i32
        %sub3A_125 = arith.subi %select_n3A, %sub3A : i32
        %le3A = arith.cmpi sle, %while3A_73, %sub3A_125 : i32
        %convert_element_type3A_126 = arith.extui %le3A : i1 to i32
        %cond3A_127 = arith.constant 0 : i32
        %cond3A_128 = arith.cmpi ne, %convert_element_type3A_126, %cond3A_127 : i32
        scf.if %cond3A_128 {
          %add3A_142 = arith.constant 1 : i32
          %add3A_143 = arith.addi %while3A_73, %add3A_142 : i32
          %mul3A_144 = arith.constant 32 : i32
          %mul3A_145 = arith.muli %mul3A_144, %add3A_143 : i32
          %add3A_146 = arith.addi %add3A, %mul3A_145 : i32
          %mul3A_147 = arith.constant 25600 : i32
          %mul3A_148 = arith.muli %add3A_146, %mul3A_147 : i32
          %dma_start3A_149 = tpu.memref_slice %arg2[%mul3A_148] : memref<12800000xf32, #tpu.memory_space<hbm>> -> memref<25600xf32, #tpu.memory_space<hbm>>
          %dma_start3A_150 = tpu.memref_slice %arg2[%mul3A_148] : memref<12800000xf32, #tpu.memory_space<hbm>> -> memref<25600xf32, #tpu.memory_space<hbm>>
          tpu.enqueue_dma source(%dma_start3A_150 : memref<25600xf32, #tpu.memory_space<hbm>>) target(%arg8 : memref<25600xf32, #tpu.memory_space<vmem>>) target_semaphore(%arg12 : memref<!tpu.dma_semaphore, #tpu.memory_space<semaphore_mem>>)
        } else {
        }
        %scan3A = arith.constant 0 : i32
        %scan3A_129 = arith.constant 0 : i32
        %scan3A_130 = arith.constant 100 : i32
        %scan3A_131 = arith.addi %scan3A_129, %scan3A_130 : i32
        %scan3A_132 = arith.constant 1 : i32
        %scan3A_133 = scf.for %scan3A_142 = %scan3A_129 to %scan3A_131 step %scan3A_132 iter_args(%scan3A_143 = %scan3A) -> (i32)  : i32 {
          %mul3A_144 = arith.constant 256 : i32
          %mul3A_145 = arith.muli %scan3A_142, %mul3A_144 : i32
          %add3A_146 = arith.constant 0 : i32
          %add3A_147 = arith.addi %mul3A_145, %add3A_146 : i32
          %add3A_148 = arith.constant 0 : i32
          %add3A_149 = arith.addi %add3A_147, %add3A_148 : i32
          %add3A_150 = arith.constant 0 : i32
          %add3A_151 = arith.addi %mul3A_145, %add3A_150 : i32
          %add3A_152 = arith.constant 16 : i32
          %add3A_153 = arith.addi %add3A_151, %add3A_152 : i32
          %add3A_154 = arith.constant 0 : i32
          %add3A_155 = arith.addi %mul3A_145, %add3A_154 : i32
          %add3A_156 = arith.constant 32 : i32
          %add3A_157 = arith.addi %add3A_155, %add3A_156 : i32
          %add3A_158 = arith.constant 0 : i32
          %add3A_159 = arith.addi %mul3A_145, %add3A_158 : i32
          %add3A_160 = arith.constant 48 : i32
          %add3A_161 = arith.addi %add3A_159, %add3A_160 : i32
          %add3A_162 = arith.constant 0 : i32
          %add3A_163 = arith.addi %mul3A_145, %add3A_162 : i32
          %add3A_164 = arith.constant 64 : i32
          %add3A_165 = arith.addi %add3A_163, %add3A_164 : i32
          %add3A_166 = arith.constant 0 : i32
          %add3A_167 = arith.addi %mul3A_145, %add3A_166 : i32
          %add3A_168 = arith.constant 80 : i32
          %add3A_169 = arith.addi %add3A_167, %add3A_168 : i32
          %add3A_170 = arith.constant 0 : i32
          %add3A_171 = arith.addi %mul3A_145, %add3A_170 : i32
          %add3A_172 = arith.constant 96 : i32
          %add3A_173 = arith.addi %add3A_171, %add3A_172 : i32
          %add3A_174 = arith.constant 0 : i32
          %add3A_175 = arith.addi %mul3A_145, %add3A_174 : i32
          %add3A_176 = arith.constant 112 : i32
          %add3A_177 = arith.addi %add3A_175, %add3A_176 : i32
          %add3A_178 = arith.constant 128 : i32
          %add3A_179 = arith.addi %mul3A_145, %add3A_178 : i32
          %add3A_180 = arith.constant 0 : i32
          %add3A_181 = arith.addi %add3A_179, %add3A_180 : i32
          %add3A_182 = arith.constant 128 : i32
          %add3A_183 = arith.addi %mul3A_145, %add3A_182 : i32
          %add3A_184 = arith.constant 16 : i32
          %add3A_185 = arith.addi %add3A_183, %add3A_184 : i32
          %add3A_186 = arith.constant 128 : i32
          %add3A_187 = arith.addi %mul3A_145, %add3A_186 : i32
          %add3A_188 = arith.constant 32 : i32
          %add3A_189 = arith.addi %add3A_187, %add3A_188 : i32
          %add3A_190 = arith.constant 128 : i32
          %add3A_191 = arith.addi %mul3A_145, %add3A_190 : i32
          %add3A_192 = arith.constant 48 : i32
          %add3A_193 = arith.addi %add3A_191, %add3A_192 : i32
          %add3A_194 = arith.constant 128 : i32
          %add3A_195 = arith.addi %mul3A_145, %add3A_194 : i32
          %add3A_196 = arith.constant 64 : i32
          %add3A_197 = arith.addi %add3A_195, %add3A_196 : i32
          %add3A_198 = arith.constant 128 : i32
          %add3A_199 = arith.addi %mul3A_145, %add3A_198 : i32
          %add3A_200 = arith.constant 80 : i32
          %add3A_201 = arith.addi %add3A_199, %add3A_200 : i32
          %add3A_202 = arith.constant 128 : i32
          %add3A_203 = arith.addi %mul3A_145, %add3A_202 : i32
          %add3A_204 = arith.constant 96 : i32
          %add3A_205 = arith.addi %add3A_203, %add3A_204 : i32
          %add3A_206 = arith.constant 128 : i32
          %add3A_207 = arith.addi %mul3A_145, %add3A_206 : i32
          %add3A_208 = arith.constant 112 : i32
          %add3A_209 = arith.addi %add3A_207, %add3A_208 : i32
          %add3A_210 = arith.constant 0 : i32
          %add3A_211 = arith.addi %mul3A_145, %add3A_210 : i32
          %add3A_212 = vector.broadcast %add3A_211 : i32 to vector<16xi32>
          %add3A_213 = arith.addi %add3A_212, %get3A_1 : vector<16xi32>
          %gather3A = tpu.vector_load_idx %arg9[%add3A_213] : memref<25600xf32, #tpu.memory_space<vmem>>[vector<16xi32>], vector<16xf32>,
          %add3A_214 = arith.constant 0 : i32
          %add3A_215 = arith.addi %mul3A_145, %add3A_214 : i32
          %add3A_216 = vector.broadcast %add3A_215 : i32 to vector<16xi32>
          %add3A_217 = arith.addi %add3A_216, %get3A_3 : vector<16xi32>
          %gather3A_218 = tpu.vector_load_idx %arg9[%add3A_217] : memref<25600xf32, #tpu.memory_space<vmem>>[vector<16xi32>], vector<16xf32>,
          %add3A_219 = arith.constant 0 : i32
          %add3A_220 = arith.addi %mul3A_145, %add3A_219 : i32
          %add3A_221 = vector.broadcast %add3A_220 : i32 to vector<16xi32>
          %add3A_222 = arith.addi %add3A_221, %get3A_5 : vector<16xi32>
          %gather3A_223 = tpu.vector_load_idx %arg9[%add3A_222] : memref<25600xf32, #tpu.memory_space<vmem>>[vector<16xi32>], vector<16xf32>,
          %add3A_224 = arith.constant 0 : i32
          %add3A_225 = arith.addi %mul3A_145, %add3A_224 : i32
          %add3A_226 = vector.broadcast %add3A_225 : i32 to vector<16xi32>
          %add3A_227 = arith.addi %add3A_226, %get3A_7 : vector<16xi32>
          %gather3A_228 = tpu.vector_load_idx %arg9[%add3A_227] : memref<25600xf32, #tpu.memory_space<vmem>>[vector<16xi32>], vector<16xf32>,
          %add3A_229 = arith.constant 0 : i32
          %add3A_230 = arith.addi %mul3A_145, %add3A_229 : i32
          %add3A_231 = vector.broadcast %add3A_230 : i32 to vector<16xi32>
          %add3A_232 = arith.addi %add3A_231, %get3A_9 : vector<16xi32>
          %gather3A_233 = tpu.vector_load_idx %arg9[%add3A_232] : memref<25600xf32, #tpu.memory_space<vmem>>[vector<16xi32>], vector<16xf32>,
          %add3A_234 = arith.constant 0 : i32
          %add3A_235 = arith.addi %mul3A_145, %add3A_234 : i32
          %add3A_236 = vector.broadcast %add3A_235 : i32 to vector<16xi32>
          %add3A_237 = arith.addi %add3A_236, %get3A_11 : vector<16xi32>
          %gather3A_238 = tpu.vector_load_idx %arg9[%add3A_237] : memref<25600xf32, #tpu.memory_space<vmem>>[vector<16xi32>], vector<16xf32>,
          %add3A_239 = arith.constant 0 : i32
          %add3A_240 = arith.addi %mul3A_145, %add3A_239 : i32
          %add3A_241 = vector.broadcast %add3A_240 : i32 to vector<16xi32>
          %add3A_242 = arith.addi %add3A_241, %get3A_13 : vector<16xi32>
          %gather3A_243 = tpu.vector_load_idx %arg9[%add3A_242] : memref<25600xf32, #tpu.memory_space<vmem>>[vector<16xi32>], vector<16xf32>,
          %add3A_244 = arith.constant 0 : i32
          %add3A_245 = arith.addi %mul3A_145, %add3A_244 : i32
          %add3A_246 = vector.broadcast %add3A_245 : i32 to vector<16xi32>
          %add3A_247 = arith.addi %add3A_246, %get3A_15 : vector<16xi32>
          %gather3A_248 = tpu.vector_load_idx %arg9[%add3A_247] : memref<25600xf32, #tpu.memory_space<vmem>>[vector<16xi32>], vector<16xf32>,
          %add3A_249 = arith.constant 128 : i32
          %add3A_250 = arith.addi %mul3A_145, %add3A_249 : i32
          %add3A_251 = vector.broadcast %add3A_250 : i32 to vector<16xi32>
          %add3A_252 = arith.addi %add3A_251, %get3A_1 : vector<16xi32>
          %gather3A_253 = tpu.vector_load_idx %arg9[%add3A_252] : memref<25600xf32, #tpu.memory_space<vmem>>[vector<16xi32>], vector<16xf32>,
          %add3A_254 = arith.constant 128 : i32
          %add3A_255 = arith.addi %mul3A_145, %add3A_254 : i32
          %add3A_256 = vector.broadcast %add3A_255 : i32 to vector<16xi32>
          %add3A_257 = arith.addi %add3A_256, %get3A_3 : vector<16xi32>
          %gather3A_258 = tpu.vector_load_idx %arg9[%add3A_257] : memref<25600xf32, #tpu.memory_space<vmem>>[vector<16xi32>], vector<16xf32>,
          %add3A_259 = arith.constant 128 : i32
          %add3A_260 = arith.addi %mul3A_145, %add3A_259 : i32
          %add3A_261 = vector.broadcast %add3A_260 : i32 to vector<16xi32>
          %add3A_262 = arith.addi %add3A_261, %get3A_5 : vector<16xi32>
          %gather3A_263 = tpu.vector_load_idx %arg9[%add3A_262] : memref<25600xf32, #tpu.memory_space<vmem>>[vector<16xi32>], vector<16xf32>,
          %add3A_264 = arith.constant 128 : i32
          %add3A_265 = arith.addi %mul3A_145, %add3A_264 : i32
          %add3A_266 = vector.broadcast %add3A_265 : i32 to vector<16xi32>
          %add3A_267 = arith.addi %add3A_266, %get3A_7 : vector<16xi32>
          %gather3A_268 = tpu.vector_load_idx %arg9[%add3A_267] : memref<25600xf32, #tpu.memory_space<vmem>>[vector<16xi32>], vector<16xf32>,
          %add3A_269 = arith.constant 128 : i32
          %add3A_270 = arith.addi %mul3A_145, %add3A_269 : i32
          %add3A_271 = vector.broadcast %add3A_270 : i32 to vector<16xi32>
          %add3A_272 = arith.addi %add3A_271, %get3A_9 : vector<16xi32>
          %gather3A_273 = tpu.vector_load_idx %arg9[%add3A_272] : memref<25600xf32, #tpu.memory_space<vmem>>[vector<16xi32>], vector<16xf32>,
          %add3A_274 = arith.constant 128 : i32
          %add3A_275 = arith.addi %mul3A_145, %add3A_274 : i32
          %add3A_276 = vector.broadcast %add3A_275 : i32 to vector<16xi32>
          %add3A_277 = arith.addi %add3A_276, %get3A_11 : vector<16xi32>
          %gather3A_278 = tpu.vector_load_idx %arg9[%add3A_277] : memref<25600xf32, #tpu.memory_space<vmem>>[vector<16xi32>], vector<16xf32>,
          %add3A_279 = arith.constant 128 : i32
          %add3A_280 = arith.addi %mul3A_145, %add3A_279 : i32
          %add3A_281 = vector.broadcast %add3A_280 : i32 to vector<16xi32>
          %add3A_282 = arith.addi %add3A_281, %get3A_13 : vector<16xi32>
          %gather3A_283 = tpu.vector_load_idx %arg9[%add3A_282] : memref<25600xf32, #tpu.memory_space<vmem>>[vector<16xi32>], vector<16xf32>,
          %add3A_284 = arith.constant 128 : i32
          %add3A_285 = arith.addi %mul3A_145, %add3A_284 : i32
          %add3A_286 = vector.broadcast %add3A_285 : i32 to vector<16xi32>
          %add3A_287 = arith.addi %add3A_286, %get3A_15 : vector<16xi32>
          %gather3A_288 = tpu.vector_load_idx %arg9[%add3A_287] : memref<25600xf32, #tpu.memory_space<vmem>>[vector<16xi32>], vector<16xf32>,
          %get3A_289 = arith.index_cast %add3A_149 : i32 to index
          %get3A_290 = tpu.vector_load %arg9[%get3A_289] {strides = array<i32>} : memref<25600xf32, #tpu.memory_space<vmem>>, vector<16xf32>,
          %get3A_291 = arith.index_cast %add3A_153 : i32 to index
          %get3A_292 = tpu.vector_load %arg9[%get3A_291] {strides = array<i32>} : memref<25600xf32, #tpu.memory_space<vmem>>, vector<16xf32>,
          %get3A_293 = arith.index_cast %add3A_157 : i32 to index
          %get3A_294 = tpu.vector_load %arg9[%get3A_293] {strides = array<i32>} : memref<25600xf32, #tpu.memory_space<vmem>>, vector<16xf32>,
          %get3A_295 = arith.index_cast %add3A_161 : i32 to index
          %get3A_296 = tpu.vector_load %arg9[%get3A_295] {strides = array<i32>} : memref<25600xf32, #tpu.memory_space<vmem>>, vector<16xf32>,
          %get3A_297 = arith.index_cast %add3A_165 : i32 to index
          %get3A_298 = tpu.vector_load %arg9[%get3A_297] {strides = array<i32>} : memref<25600xf32, #tpu.memory_space<vmem>>, vector<16xf32>,
          %get3A_299 = arith.index_cast %add3A_169 : i32 to index
          %get3A_300 = tpu.vector_load %arg9[%get3A_299] {strides = array<i32>} : memref<25600xf32, #tpu.memory_space<vmem>>, vector<16xf32>,
          %get3A_301 = arith.index_cast %add3A_173 : i32 to index
          %get3A_302 = tpu.vector_load %arg9[%get3A_301] {strides = array<i32>} : memref<25600xf32, #tpu.memory_space<vmem>>, vector<16xf32>,
          %get3A_303 = arith.index_cast %add3A_177 : i32 to index
          %get3A_304 = tpu.vector_load %arg9[%get3A_303] {strides = array<i32>} : memref<25600xf32, #tpu.memory_space<vmem>>, vector<16xf32>,
          %get3A_305 = arith.index_cast %add3A_181 : i32 to index
          %get3A_306 = tpu.vector_load %arg9[%get3A_305] {strides = array<i32>} : memref<25600xf32, #tpu.memory_space<vmem>>, vector<16xf32>,
          %get3A_307 = arith.index_cast %add3A_185 : i32 to index
          %get3A_308 = tpu.vector_load %arg9[%get3A_307] {strides = array<i32>} : memref<25600xf32, #tpu.memory_space<vmem>>, vector<16xf32>,
          %get3A_309 = arith.index_cast %add3A_189 : i32 to index
          %get3A_310 = tpu.vector_load %arg9[%get3A_309] {strides = array<i32>} : memref<25600xf32, #tpu.memory_space<vmem>>, vector<16xf32>,
          %get3A_311 = arith.index_cast %add3A_193 : i32 to index
          %get3A_312 = tpu.vector_load %arg9[%get3A_311] {strides = array<i32>} : memref<25600xf32, #tpu.memory_space<vmem>>, vector<16xf32>,
          %get3A_313 = arith.index_cast %add3A_197 : i32 to index
          %get3A_314 = tpu.vector_load %arg9[%get3A_313] {strides = array<i32>} : memref<25600xf32, #tpu.memory_space<vmem>>, vector<16xf32>,
          %get3A_315 = arith.index_cast %add3A_201 : i32 to index
          %get3A_316 = tpu.vector_load %arg9[%get3A_315] {strides = array<i32>} : memref<25600xf32, #tpu.memory_space<vmem>>, vector<16xf32>,
          %get3A_317 = arith.index_cast %add3A_205 : i32 to index
          %get3A_318 = tpu.vector_load %arg9[%get3A_317] {strides = array<i32>} : memref<25600xf32, #tpu.memory_space<vmem>>, vector<16xf32>,
          %get3A_319 = arith.index_cast %add3A_209 : i32 to index
          %get3A_320 = tpu.vector_load %arg9[%get3A_319] {strides = array<i32>} : memref<25600xf32, #tpu.memory_space<vmem>>, vector<16xf32>,
          %mul3A_321 = arith.constant 1.000000e-01 : f32
          %mul3A_322 = vector.broadcast %mul3A_321 : f32 to vector<16xf32>
          %mul3A_323 = arith.mulf %mul3A_322, %gather3A : vector<16xf32>
          %add3A_324 = arith.addf %get3A_290, %mul3A_323 : vector<16xf32>
          %sub3A_325 = arith.subf %add3A_324, %get3A_19 : vector<16xf32>
          %mul3A_326 = arith.constant 1.000000e-01 : f32
          %mul3A_327 = vector.broadcast %mul3A_326 : f32 to vector<16xf32>
          %mul3A_328 = arith.mulf %mul3A_327, %gather3A_218 : vector<16xf32>
          %add3A_329 = arith.addf %get3A_292, %mul3A_328 : vector<16xf32>
          %sub3A_330 = arith.subf %add3A_329, %get3A_23 : vector<16xf32>
          %mul3A_331 = arith.constant 1.000000e-01 : f32
          %mul3A_332 = vector.broadcast %mul3A_331 : f32 to vector<16xf32>
          %mul3A_333 = arith.mulf %mul3A_332, %gather3A_223 : vector<16xf32>
          %add3A_334 = arith.addf %get3A_294, %mul3A_333 : vector<16xf32>
          %sub3A_335 = arith.subf %add3A_334, %get3A_27 : vector<16xf32>
          %mul3A_336 = arith.constant 1.000000e-01 : f32
          %mul3A_337 = vector.broadcast %mul3A_336 : f32 to vector<16xf32>
          %mul3A_338 = arith.mulf %mul3A_337, %gather3A_228 : vector<16xf32>
          %add3A_339 = arith.addf %get3A_296, %mul3A_338 : vector<16xf32>
          %sub3A_340 = arith.subf %add3A_339, %get3A_31 : vector<16xf32>
          %mul3A_341 = arith.constant 1.000000e-01 : f32
          %mul3A_342 = vector.broadcast %mul3A_341 : f32 to vector<16xf32>
          %mul3A_343 = arith.mulf %mul3A_342, %gather3A_233 : vector<16xf32>
          %add3A_344 = arith.addf %get3A_298, %mul3A_343 : vector<16xf32>
          %sub3A_345 = arith.subf %add3A_344, %get3A_35 : vector<16xf32>
          %mul3A_346 = arith.constant 1.000000e-01 : f32
          %mul3A_347 = vector.broadcast %mul3A_346 : f32 to vector<16xf32>
          %mul3A_348 = arith.mulf %mul3A_347, %gather3A_238 : vector<16xf32>
          %add3A_349 = arith.addf %get3A_300, %mul3A_348 : vector<16xf32>
          %sub3A_350 = arith.subf %add3A_349, %get3A_39 : vector<16xf32>
          %mul3A_351 = arith.constant 1.000000e-01 : f32
          %mul3A_352 = vector.broadcast %mul3A_351 : f32 to vector<16xf32>
          %mul3A_353 = arith.mulf %mul3A_352, %gather3A_243 : vector<16xf32>
          %add3A_354 = arith.addf %get3A_302, %mul3A_353 : vector<16xf32>
          %sub3A_355 = arith.subf %add3A_354, %get3A_43 : vector<16xf32>
          %mul3A_356 = arith.constant 1.000000e-01 : f32
          %mul3A_357 = vector.broadcast %mul3A_356 : f32 to vector<16xf32>
          %mul3A_358 = arith.mulf %mul3A_357, %gather3A_248 : vector<16xf32>
          %add3A_359 = arith.addf %get3A_304, %mul3A_358 : vector<16xf32>
          %sub3A_360 = arith.subf %add3A_359, %get3A_47 : vector<16xf32>
          %mul3A_361 = arith.constant 1.000000e-01 : f32
          %mul3A_362 = vector.broadcast %mul3A_361 : f32 to vector<16xf32>
          %mul3A_363 = arith.mulf %mul3A_362, %gather3A_253 : vector<16xf32>
          %add3A_364 = arith.addf %get3A_306, %mul3A_363 : vector<16xf32>
          %sub3A_365 = arith.subf %add3A_364, %get3A_19 : vector<16xf32>
          %mul3A_366 = arith.constant 1.000000e-01 : f32
          %mul3A_367 = vector.broadcast %mul3A_366 : f32 to vector<16xf32>
          %mul3A_368 = arith.mulf %mul3A_367, %gather3A_258 : vector<16xf32>
          %add3A_369 = arith.addf %get3A_308, %mul3A_368 : vector<16xf32>
          %sub3A_370 = arith.subf %add3A_369, %get3A_23 : vector<16xf32>
          %mul3A_371 = arith.constant 1.000000e-01 : f32
          %mul3A_372 = vector.broadcast %mul3A_371 : f32 to vector<16xf32>
          %mul3A_373 = arith.mulf %mul3A_372, %gather3A_263 : vector<16xf32>
          %add3A_374 = arith.addf %get3A_310, %mul3A_373 : vector<16xf32>
          %sub3A_375 = arith.subf %add3A_374, %get3A_27 : vector<16xf32>
          %mul3A_376 = arith.constant 1.000000e-01 : f32
          %mul3A_377 = vector.broadcast %mul3A_376 : f32 to vector<16xf32>
          %mul3A_378 = arith.mulf %mul3A_377, %gather3A_268 : vector<16xf32>
          %add3A_379 = arith.addf %get3A_312, %mul3A_378 : vector<16xf32>
          %sub3A_380 = arith.subf %add3A_379, %get3A_31 : vector<16xf32>
          %mul3A_381 = arith.constant 1.000000e-01 : f32
          %mul3A_382 = vector.broadcast %mul3A_381 : f32 to vector<16xf32>
          %mul3A_383 = arith.mulf %mul3A_382, %gather3A_273 : vector<16xf32>
          %add3A_384 = arith.addf %get3A_314, %mul3A_383 : vector<16xf32>
          %sub3A_385 = arith.subf %add3A_384, %get3A_35 : vector<16xf32>
          %mul3A_386 = arith.constant 1.000000e-01 : f32
          %mul3A_387 = vector.broadcast %mul3A_386 : f32 to vector<16xf32>
          %mul3A_388 = arith.mulf %mul3A_387, %gather3A_278 : vector<16xf32>
          %add3A_389 = arith.addf %get3A_316, %mul3A_388 : vector<16xf32>
          %sub3A_390 = arith.subf %add3A_389, %get3A_39 : vector<16xf32>
          %mul3A_391 = arith.constant 1.000000e-01 : f32
          %mul3A_392 = vector.broadcast %mul3A_391 : f32 to vector<16xf32>
          %mul3A_393 = arith.mulf %mul3A_392, %gather3A_283 : vector<16xf32>
          %add3A_394 = arith.addf %get3A_318, %mul3A_393 : vector<16xf32>
          %sub3A_395 = arith.subf %add3A_394, %get3A_43 : vector<16xf32>
          %mul3A_396 = arith.constant 1.000000e-01 : f32
          %mul3A_397 = vector.broadcast %mul3A_396 : f32 to vector<16xf32>
          %mul3A_398 = arith.mulf %mul3A_397, %gather3A_288 : vector<16xf32>
          %add3A_399 = arith.addf %get3A_320, %mul3A_398 : vector<16xf32>
          %sub3A_400 = arith.subf %add3A_399, %get3A_47 : vector<16xf32>
          %swap3A = arith.index_cast %add3A_149 : i32 to index
          %swap3A_401 = tpu.vector_load %arg11[%swap3A] {strides = array<i32>} : memref<25600xf32, #tpu.memory_space<vmem>>, vector<16xf32>,
          tpu.vector_store %arg11[%swap3A], %sub3A_325 {strides = array<i32>} : memref<25600xf32, #tpu.memory_space<vmem>>, vector<16xf32>,
          %swap3A_402 = arith.index_cast %add3A_153 : i32 to index
          %swap3A_403 = tpu.vector_load %arg11[%swap3A_402] {strides = array<i32>} : memref<25600xf32, #tpu.memory_space<vmem>>, vector<16xf32>,
          tpu.vector_store %arg11[%swap3A_402], %sub3A_330 {strides = array<i32>} : memref<25600xf32, #tpu.memory_space<vmem>>, vector<16xf32>,
          %swap3A_404 = arith.index_cast %add3A_157 : i32 to index
          %swap3A_405 = tpu.vector_load %arg11[%swap3A_404] {strides = array<i32>} : memref<25600xf32, #tpu.memory_space<vmem>>, vector<16xf32>,
          tpu.vector_store %arg11[%swap3A_404], %sub3A_335 {strides = array<i32>} : memref<25600xf32, #tpu.memory_space<vmem>>, vector<16xf32>,
          %swap3A_406 = arith.index_cast %add3A_161 : i32 to index
          %swap3A_407 = tpu.vector_load %arg11[%swap3A_406] {strides = array<i32>} : memref<25600xf32, #tpu.memory_space<vmem>>, vector<16xf32>,
          tpu.vector_store %arg11[%swap3A_406], %sub3A_340 {strides = array<i32>} : memref<25600xf32, #tpu.memory_space<vmem>>, vector<16xf32>,
          %swap3A_408 = arith.index_cast %add3A_165 : i32 to index
          %swap3A_409 = tpu.vector_load %arg11[%swap3A_408] {strides = array<i32>} : memref<25600xf32, #tpu.memory_space<vmem>>, vector<16xf32>,
          tpu.vector_store %arg11[%swap3A_408], %sub3A_345 {strides = array<i32>} : memref<25600xf32, #tpu.memory_space<vmem>>, vector<16xf32>,
          %swap3A_410 = arith.index_cast %add3A_169 : i32 to index
          %swap3A_411 = tpu.vector_load %arg11[%swap3A_410] {strides = array<i32>} : memref<25600xf32, #tpu.memory_space<vmem>>, vector<16xf32>,
          tpu.vector_store %arg11[%swap3A_410], %sub3A_350 {strides = array<i32>} : memref<25600xf32, #tpu.memory_space<vmem>>, vector<16xf32>,
          %swap3A_412 = arith.index_cast %add3A_173 : i32 to index
          %swap3A_413 = tpu.vector_load %arg11[%swap3A_412] {strides = array<i32>} : memref<25600xf32, #tpu.memory_space<vmem>>, vector<16xf32>,
          tpu.vector_store %arg11[%swap3A_412], %sub3A_355 {strides = array<i32>} : memref<25600xf32, #tpu.memory_space<vmem>>, vector<16xf32>,
          %swap3A_414 = arith.index_cast %add3A_177 : i32 to index
          %swap3A_415 = tpu.vector_load %arg11[%swap3A_414] {strides = array<i32>} : memref<25600xf32, #tpu.memory_space<vmem>>, vector<16xf32>,
          tpu.vector_store %arg11[%swap3A_414], %sub3A_360 {strides = array<i32>} : memref<25600xf32, #tpu.memory_space<vmem>>, vector<16xf32>,
          %swap3A_416 = arith.index_cast %add3A_181 : i32 to index
          %swap3A_417 = tpu.vector_load %arg11[%swap3A_416] {strides = array<i32>} : memref<25600xf32, #tpu.memory_space<vmem>>, vector<16xf32>,
          tpu.vector_store %arg11[%swap3A_416], %sub3A_365 {strides = array<i32>} : memref<25600xf32, #tpu.memory_space<vmem>>, vector<16xf32>,
          %swap3A_418 = arith.index_cast %add3A_185 : i32 to index
          %swap3A_419 = tpu.vector_load %arg11[%swap3A_418] {strides = array<i32>} : memref<25600xf32, #tpu.memory_space<vmem>>, vector<16xf32>,
          tpu.vector_store %arg11[%swap3A_418], %sub3A_370 {strides = array<i32>} : memref<25600xf32, #tpu.memory_space<vmem>>, vector<16xf32>,
          %swap3A_420 = arith.index_cast %add3A_189 : i32 to index
          %swap3A_421 = tpu.vector_load %arg11[%swap3A_420] {strides = array<i32>} : memref<25600xf32, #tpu.memory_space<vmem>>, vector<16xf32>,
          tpu.vector_store %arg11[%swap3A_420], %sub3A_375 {strides = array<i32>} : memref<25600xf32, #tpu.memory_space<vmem>>, vector<16xf32>,
          %swap3A_422 = arith.index_cast %add3A_193 : i32 to index
          %swap3A_423 = tpu.vector_load %arg11[%swap3A_422] {strides = array<i32>} : memref<25600xf32, #tpu.memory_space<vmem>>, vector<16xf32>,
          tpu.vector_store %arg11[%swap3A_422], %sub3A_380 {strides = array<i32>} : memref<25600xf32, #tpu.memory_space<vmem>>, vector<16xf32>,
          %swap3A_424 = arith.index_cast %add3A_197 : i32 to index
          %swap3A_425 = tpu.vector_load %arg11[%swap3A_424] {strides = array<i32>} : memref<25600xf32, #tpu.memory_space<vmem>>, vector<16xf32>,
          tpu.vector_store %arg11[%swap3A_424], %sub3A_385 {strides = array<i32>} : memref<25600xf32, #tpu.memory_space<vmem>>, vector<16xf32>,
          %swap3A_426 = arith.index_cast %add3A_201 : i32 to index
          %swap3A_427 = tpu.vector_load %arg11[%swap3A_426] {strides = array<i32>} : memref<25600xf32, #tpu.memory_space<vmem>>, vector<16xf32>,
          tpu.vector_store %arg11[%swap3A_426], %sub3A_390 {strides = array<i32>} : memref<25600xf32, #tpu.memory_space<vmem>>, vector<16xf32>,
          %swap3A_428 = arith.index_cast %add3A_205 : i32 to index
          %swap3A_429 = tpu.vector_load %arg11[%swap3A_428] {strides = array<i32>} : memref<25600xf32, #tpu.memory_space<vmem>>, vector<16xf32>,
          tpu.vector_store %arg11[%swap3A_428], %sub3A_395 {strides = array<i32>} : memref<25600xf32, #tpu.memory_space<vmem>>, vector<16xf32>,
          %swap3A_430 = arith.index_cast %add3A_209 : i32 to index
          %swap3A_431 = tpu.vector_load %arg11[%swap3A_430] {strides = array<i32>} : memref<25600xf32, #tpu.memory_space<vmem>>, vector<16xf32>,
          tpu.vector_store %arg11[%swap3A_430], %sub3A_400 {strides = array<i32>} : memref<25600xf32, #tpu.memory_space<vmem>>, vector<16xf32>,
          %scan3A_432 = arith.constant 0 : i32
          scf.yield %scan3A_432 : i32
        }
        %scan3A_134 = arith.constant 100 : i32
        %mul3A_135 = arith.constant 32 : i32
        %mul3A_136 = arith.muli %mul3A_135, %while3A_73 : i32
        %add3A_137 = arith.addi %add3A, %mul3A_136 : i32
        %mul3A_138 = arith.constant 25600 : i32
        %mul3A_139 = arith.muli %add3A_137, %mul3A_138 : i32
        %dma_start3A_140 = tpu.memref_slice %arg5[%mul3A_139] : memref<12800000xf32, #tpu.memory_space<hbm>> -> memref<25600xf32, #tpu.memory_space<hbm>>
        %dma_start3A_141 = tpu.memref_slice %arg5[%mul3A_139] : memref<12800000xf32, #tpu.memory_space<hbm>> -> memref<25600xf32, #tpu.memory_space<hbm>>
        tpu.enqueue_dma source(%arg11 : memref<25600xf32, #tpu.memory_space<vmem>>) target(%dma_start3A_141 : memref<25600xf32, #tpu.memory_space<hbm>>) target_semaphore(%arg15 : memref<!tpu.dma_semaphore, #tpu.memory_space<semaphore_mem>>)
      } else {
      }
      %while3A_113 = arith.constant 0 : i32
      scf.yield %while3A_113 : i32
    }
    %lt3A_66 = arith.constant 20 : i32
    %lt3A_67 = arith.cmpi slt, %add3A, %lt3A_66 : i32
    %convert_element_type3A = arith.extui %lt3A_67 : i1 to i32
    %cond3A = arith.constant 0 : i32
    %cond3A_68 = arith.cmpi ne, %convert_element_type3A, %cond3A : i32
    scf.if %cond3A_68 {
      %add3A_73 = arith.constant 480 : i32
      %add3A_74 = arith.addi %add3A, %add3A_73 : i32
      %mul3A_75 = arith.constant 25600 : i32
      %mul3A_76 = arith.muli %add3A_74, %mul3A_75 : i32
      %dma_wait3A = tpu.memref_slice %arg5[%mul3A_76] : memref<12800000xf32, #tpu.memory_space<hbm>> -> memref<25600xf32, #tpu.memory_space<hbm>>
      %dma_wait3A_77 = tpu.memref_slice %arg5[%mul3A_76] : memref<12800000xf32, #tpu.memory_space<hbm>> -> memref<25600xf32, #tpu.memory_space<hbm>>
      tpu.wait_dma2 semaphore(%arg15 : memref<!tpu.dma_semaphore, #tpu.memory_space<semaphore_mem>>) src(%arg11 : memref<25600xf32, #tpu.memory_space<vmem>>) dst(%dma_wait3A_77 : memref<25600xf32, #tpu.memory_space<hbm>>)
    } else {
    }
    %ge3A = arith.constant 20 : i32
    %ge3A_69 = arith.cmpi sge, %add3A, %ge3A : i32
    %convert_element_type3A_70 = arith.extui %ge3A_69 : i1 to i32
    %cond3A_71 = arith.constant 0 : i32
    %cond3A_72 = arith.cmpi ne, %convert_element_type3A_70, %cond3A_71 : i32
    scf.if %cond3A_72 {
      %add3A_73 = arith.constant 448 : i32
      %add3A_74 = arith.addi %add3A, %add3A_73 : i32
      %mul3A_75 = arith.constant 25600 : i32
      %mul3A_76 = arith.muli %add3A_74, %mul3A_75 : i32
      %dma_wait3A = tpu.memref_slice %arg5[%mul3A_76] : memref<12800000xf32, #tpu.memory_space<hbm>> -> memref<25600xf32, #tpu.memory_space<hbm>>
      %dma_wait3A_77 = tpu.memref_slice %arg5[%mul3A_76] : memref<12800000xf32, #tpu.memory_space<hbm>> -> memref<25600xf32, #tpu.memory_space<hbm>>
      tpu.wait_dma2 semaphore(%arg14 : memref<!tpu.dma_semaphore, #tpu.memory_space<semaphore_mem>>) src(%arg10 : memref<25600xf32, #tpu.memory_space<vmem>>) dst(%dma_wait3A_77 : memref<25600xf32, #tpu.memory_space<hbm>>)
    } else {
    }
    return
  }
}

module attributes {stable_mosaic.version = 14 : i64} {
  func.func @_corr_body(%arg0: i32, %arg1: memref<10000x128xf32, #tpu.memory_space<vmem>>, %arg2: memref<128x128xf32, #tpu.memory_space<vmem>>, %arg3: memref<8x128xf32, #tpu.memory_space<vmem>>, %arg4: memref<1x128xf32, #tpu.memory_space<vmem>>) attributes {dimension_semantics = [#tpu.dimension_semantics<arbitrary>], iteration_bounds = array<i64: 10>, scalar_prefetch = 0 : i64, scratch_operands = 1 : i64, tpu.core_type = #tpu.core_type<tc>, window_params = [{transform_indices = @transform_0, window_bounds = array<i64: 10000, 128>}, {pipeline_mode = #tpu.pipeline_mode<synchronous>, transform_indices = @transform_1, window_bounds = array<i64: 128, 128>}, {pipeline_mode = #tpu.pipeline_mode<synchronous>, transform_indices = @transform_2, window_bounds = array<i64: 8, 128>}]} {
    %eq3A = arith.constant 0 : i32
    %eq3A_0 = arith.cmpi eq, %arg0, %eq3A : i32
    %convert_element_type3A = arith.extui %eq3A_0 : i1 to i32
    %cond3A = arith.constant 0 : i32
    %cond3A_1 = arith.cmpi ne, %convert_element_type3A, %cond3A : i32
    scf.if %cond3A_1 {
      %broadcast_in_dim3A_15 = arith.constant 0.000000e+00 : f32
      %broadcast_in_dim3A_16 = vector.broadcast %broadcast_in_dim3A_15 : f32 to vector<1x128xf32>
      %swap3A_17 = arith.constant 0 : index
      %swap3A_18 = arith.constant 0 : index
      %swap3A_19 = vector.load %arg4[%swap3A_17, %swap3A_18] : memref<1x128xf32, #tpu.memory_space<vmem>>, vector<1x128xf32>
      tpu.vector_store %arg4[%swap3A_17, %swap3A_18], %broadcast_in_dim3A_16 {strides = array<i32>} : memref<1x128xf32, #tpu.memory_space<vmem>>, vector<1x128xf32>,
    } else {
    }
    %get3A = arith.constant 0 : index
    %get3A_2 = arith.constant 0 : index
    %get3A_3 = vector.load %arg4[%get3A, %get3A_2] : memref<1x128xf32, #tpu.memory_space<vmem>>, vector<1x128xf32>
    %get3A_4 = arith.constant 0 : index
    %get3A_5 = arith.constant 0 : index
    %get3A_6 = vector.load %arg1[%get3A_4, %get3A_5] : memref<10000x128xf32, #tpu.memory_space<vmem>>, vector<10000x128xf32>
    %reduce_sum3A = arith.constant dense<0.000000e+00> : vector<128xf32>
    %reduce_sum3A_7 = vector.multi_reduction <add>, %get3A_6, %reduce_sum3A [0] : vector<10000x128xf32> to vector<128xf32>
    %broadcast_in_dim3A = vector.shape_cast %reduce_sum3A_7 : vector<128xf32> to vector<1x128xf32>
    %add3A = arith.addf %get3A_3, %broadcast_in_dim3A : vector<1x128xf32>
    %swap3A = arith.constant 0 : index
    %swap3A_8 = arith.constant 0 : index
    %swap3A_9 = vector.load %arg4[%swap3A, %swap3A_8] : memref<1x128xf32, #tpu.memory_space<vmem>>, vector<1x128xf32>
    tpu.vector_store %arg4[%swap3A, %swap3A_8], %add3A {strides = array<i32>} : memref<1x128xf32, #tpu.memory_space<vmem>>, vector<1x128xf32>,
    %eq3A_10 = arith.constant 9 : i32
    %eq3A_11 = arith.cmpi eq, %arg0, %eq3A_10 : i32
    %convert_element_type3A_12 = arith.extui %eq3A_11 : i1 to i32
    %cond3A_13 = arith.constant 0 : i32
    %cond3A_14 = arith.cmpi ne, %convert_element_type3A_12, %cond3A_13 : i32
    scf.if %cond3A_14 {
      %get3A_15 = arith.constant 0 : index
      %get3A_16 = arith.constant 0 : index
      %get3A_17 = vector.load %arg4[%get3A_15, %get3A_16] : memref<1x128xf32, #tpu.memory_space<vmem>>, vector<1x128xf32>
      %get3A_18 = arith.constant 0 : index
      %get3A_19 = arith.constant 0 : index
      %get3A_20 = vector.load %arg2[%get3A_18, %get3A_19] : memref<128x128xf32, #tpu.memory_space<vmem>>, vector<128x128xf32>
      %dot_general3A = arith.constant dense<0.000000e+00> : vector<1x128xf32>
      %dot_general3A_21 = tpu.matmul %get3A_17, %get3A_20, %dot_general3A {dimension_numbers = #tpu.dot_dimension_numbers<[1], [0], [0], [1], [0, 0, 1, 1], [], []>, transpose_lhs_hint = false} : vector<1x128xf32>, vector<128x128xf32>, vector<1x128xf32> -> vector<1x128xf32>
      %mul3A = arith.constant 9.99999997E-7 : f32
      %mul3A_22 = vector.broadcast %mul3A : f32 to vector<1x128xf32>
      %mul3A_23 = arith.mulf %dot_general3A_21, %mul3A_22 : vector<1x128xf32>
      %broadcast_in_dim3A_24 = vector.shape_cast %mul3A_23 : vector<1x128xf32> to vector<1x128xf32>
      %broadcast_in_dim3A_25 = vector.broadcast %broadcast_in_dim3A_24 : vector<1x128xf32> to vector<8x128xf32>
      %swap3A_26 = arith.constant 0 : index
      %swap3A_27 = arith.constant 0 : index
      %swap3A_28 = vector.load %arg3[%swap3A_26, %swap3A_27] : memref<8x128xf32, #tpu.memory_space<vmem>>, vector<8x128xf32>
      tpu.vector_store %arg3[%swap3A_26, %swap3A_27], %broadcast_in_dim3A_25 {strides = array<i32>} : memref<8x128xf32, #tpu.memory_space<vmem>>, vector<8x128xf32>,
    } else {
    }
    return
  }
  func.func @transform_0(%arg0: i32) -> (i32, i32) {
    %c0_i32 = arith.constant 0 : i32
    %c0_i32_0 = arith.constant 0 : i32
    return %arg0, %c0_i32 : i32, i32
  }
  func.func @transform_1(%arg0: i32) -> (i32, i32) {
    %c0_i32 = arith.constant 0 : i32
    %c0_i32_0 = arith.constant 0 : i32
    %c0_i32_1 = arith.constant 0 : i32
    return %c0_i32, %c0_i32_0 : i32, i32
  }
  func.func @transform_2(%arg0: i32) -> (i32, i32) {
    %c0_i32 = arith.constant 0 : i32
    %c0_i32_0 = arith.constant 0 : i32
    %c0_i32_1 = arith.constant 0 : i32
    return %c0_i32, %c0_i32_0 : i32, i32
  }
}

</mosaic_0001>

<sc_bundles>
// kernel: _emix_noise.4.cloned.1.call-start
scs
__scs_entry_jumppad:
0x0: {  	(pc) =	sbr.rel $0x88, $3  }
0x1: {  	(tag) =	ssettag $0x0;
	lr =	simm.s32 $0x1  }
0x2: {  	[smem:$0x3F9F] =	sst lr;
	_ =	strace $0xD0000000  }
0x3: {  	_ = 	snop  }
0x4: {  	_ = 	snop  }
0x5: {  	_ = 	snop  }
0x6: {  	_ = 	snop  }
0x7: {  	_ = 	snop  }
__scs_overlays_trampoline_lowered:
0x8: {  	[smem:$0x3FAE] =	sst s0  }
0x9: {  	[smem:$0x3FAF] =	sst s1  }
0xa: {  	[smem:$0x3FB0] =	sst s2  }
0xb: {  	[smem:$0x3FB1] =	sst s3  }
0xc: {  	[smem:$0x3FB2] =	sst s4  }
0xd: {  	[smem:$0x3FB3] =	sst s5  }
0xe: {  	[smem:$0x3FB4] =	sst s6  }
0xf: {  	[smem:$0x3FB5] =	sst s7  }
0x10: {  	[smem:$0x3FB6] =	sst s8  }
0x11: {  	[smem:$0x3FB7] =	sst s9;
	s0 =	simm.s32 @!p0 $0x0  }
0x12: {  	s1 =	sld [smem:$0x3F9D];
	s0 =	simm.s32 @p0 $0x1  }
0x13: {  	[smem:$0x3FB8] =	sst s0;
	s0 =	simm.s32 @!p1 $0x0  }
0x14: {  	s2 =	sld [smem:$0x3F9C];
	s0 =	simm.s32 @p1 $0x1  }
0x15: {  	[smem:$0x3FB9] =	sst s0;
	s0 =	simm.s32 @!p2 $0x0  }
0x16: {  	s3 =	sld [smem:$0x3FDB];
	s0 =	simm.s32 @p2 $0x1  }
0x17: {  	s4 =	simm.s32 $0x1BF5;
	[smem:$0x3FBB] =	sst s0  }
0x18: {  	s0 =	sld [smem:$0x3F9E];
	_ =	swait.ge [sflag:s4], $0x0  }
0x19: {  	s7 =	sld [smem:$0x3F9F]  }
0x1a: {  	s8 =	sadd.s32 $0xFFFFE003, lr  }
0x1b: {  	s9 =	sadd.s32 $0xFFFFFEF7, lr;
	s5 =	simm.s32 $0xFFFFFFFF;
	p2 =	slt.u32 s8, $0xFFFFF086  }
0x1c: {  	p1 =	slt.u32 s9, $0xF7A;
	s5 =	simm.s32 @!p2 $0x0  }
0x1d: {  	s5 =	simm.s32 @p1 $0x1;
	p0 =	seq.s32 s7, s2  }
0x1e: {  	s7 =	smul.u32 @!p0 $0xF7A, s2;
	p2 =	seq.s32 @!p0 s5, $0x0  }
0x1f: {  	s9 =	smul.u32 $0xF7A, s1;
	s8 =	simm.s32 @!p0 $0x1BF5;
	p2 =	por !p2, p0  }
0x20: {  	[sflag:s8] =	ssyncset.s32 @!p0 $0xFFFFF086;
	s6 =	sadd.s32 @!p0 s3, s7;
	s7 =	simm.s32 @!p0 $0x108  }
0x21: {  	s3 =	sadd.s32 s3, s9;
	s6 =	sadd.s32 @!p0 $0x88, s6;
	s7 =	simm.s32 @p2 $0x1082  }
0x22: {  	[simem:s7], [sflag:s8] =	dma.local @!p0 [hbm:s6], $0xF7A  }
0x23: {  	s9 =	sor.u32 $0xD0000000, s2;
	s6 =	simm.s32 $0x108;
	_ =	swait.ge @!p0 [sflag:s8], $0x0  }
0x24: {  	s3 =	sadd.s32 $0x88, s3;
	s6 =	simm.s32 @!p1 $0x1082;
	[sflag:s4] =	ssyncset.s32 $0xFFFFF086  }
0x25: {  	[simem:s6], [sflag:s4] =	dma.local [hbm:s3], $0xF7A  }
0x26: {  	[smem:$0x3F9F] =	sst s1;
	(tag) =	ssettag s2;
	_ =	strace s9  }
0x27: {  	s1 =	sld [smem:$0x3FAF]  }
0x28: {  	s2 =	sld [smem:$0x3FB0]  }
0x29: {  	s4 =	sld [smem:$0x3FB2]  }
0x2a: {  	p0 =	seq.s32 s5, $0x0;
	s5 =	sld [smem:$0x3FB3]  }
0x2b: {  	s6 =	sld [smem:$0x3FB4]  }
0x2c: {  	s7 =	sld [smem:$0x3FB5]  }
0x2d: {  	s3 =	simm.s32 $0x108;
	s8 =	sld [smem:$0x3FB6]  }
0x2e: {  	s3 =	simm.s32 @!p0 $0x1082;
	s9 =	sld [smem:$0x3FB7]  }
0x2f: {  	lr =	sadd.s32 s0, s3;
	s0 =	sld [smem:$0x3FAE]  }
0x30: {  	s3 =	sld [smem:$0x3FB1]  }
0x31: {  	[smem:$0x3FBA] =	sst s10  }
0x32: {  	s10 =	sld [smem:$0x3FB8];
	_ =	sdelay $0x3  }
0x33: {  	p0 =	seq.s32 s10, $0x1;
	s10 =	sld [smem:$0x3FBA];
	_ =	sdelay $0x3  }
0x34: {  	[smem:$0x3FBA] =	sst s10  }
0x35: {  	s10 =	sld [smem:$0x3FB9];
	_ =	sdelay $0x3  }
0x36: {  	p1 =	seq.s32 s10, $0x1;
	s10 =	sld [smem:$0x3FBA];
	_ =	sdelay $0x3  }
0x37: {  	[smem:$0x3FBA] =	sst s10  }
0x38: {  	s10 =	sld [smem:$0x3FBB]  }
0x39: {  	_ = 	snop;
	(pc) =	sbr.ind lr, $3  }
0x3a: {  	_ = 	snop  }
0x3b: {  	_ = 	snop  }
0x3c: {  	p2 =	seq.s32 s10, $0x1;
	s10 =	sld [smem:$0x3FBA]  }
0x3d: {  	_ =	shalt  }
0x3e: {  	_ =	shalt  }
0x3f: {  	_ =	shalt  }
0x40: {  	_ =	shalt  }
0x41: {  	_ =	shalt  }
0x42: {  	_ =	shalt  }
0x43: {  	_ =	shalt  }
0x44: {  	_ =	shalt  }
0x45: {  	_ =	shalt  }
0x46: {  	_ =	shalt  }
0x47: {  	_ =	shalt  }
0x48: {  	_ =	shalt  }
0x49: {  	_ =	shalt  }
0x4a: {  	_ =	shalt  }
0x4b: {  	_ =	shalt  }
0x4c: {  	_ =	shalt  }
0x4d: {  	_ =	shalt  }
0x4e: {  	_ =	shalt  }
0x4f: {  	_ =	shalt  }
0x50: {  	_ =	shalt  }
0x51: {  	_ =	shalt  }
0x52: {  	_ =	shalt  }
0x53: {  	_ =	shalt  }
0x54: {  	_ =	shalt  }
0x55: {  	_ =	shalt  }
0x56: {  	_ =	shalt  }
0x57: {  	_ =	shalt  }
0x58: {  	_ =	shalt  }
0x59: {  	_ =	shalt  }
0x5a: {  	_ =	shalt  }
0x5b: {  	_ =	shalt  }
0x5c: {  	_ =	shalt  }
0x5d: {  	_ =	shalt  }
0x5e: {  	_ =	shalt  }
0x5f: {  	_ =	shalt  }
0x60: {  	_ =	shalt  }
0x61: {  	_ =	shalt  }
0x62: {  	_ =	shalt  }
0x63: {  	_ =	shalt  }
0x64: {  	_ =	shalt  }
0x65: {  	_ =	shalt  }
0x66: {  	_ =	shalt  }
0x67: {  	_ =	shalt  }
0x68: {  	_ =	shalt  }
0x69: {  	_ =	shalt  }
0x6a: {  	_ =	shalt  }
0x6b: {  	_ =	shalt  }
0x6c: {  	_ =	shalt  }
0x6d: {  	_ =	shalt  }
0x6e: {  	_ =	shalt  }
0x6f: {  	_ =	shalt  }
0x70: {  	_ =	shalt  }
0x71: {  	_ =	shalt  }
0x72: {  	_ =	shalt  }
0x73: {  	_ =	shalt  }
0x74: {  	_ =	shalt  }
0x75: {  	_ =	shalt  }
0x76: {  	_ =	shalt  }
0x77: {  	_ =	shalt  }
0x78: {  	_ =	shalt  }
0x79: {  	_ =	shalt  }
0x7a: {  	_ =	shalt  }
0x7b: {  	_ =	shalt  }
0x7c: {  	_ =	shalt  }
0x7d: {  	_ =	shalt  }
0x7e: {  	_ =	shalt  }
0x7f: {  	_ =	shalt  }
0x80: {  	_ =	shalt  }
0x81: {  	_ =	shalt  }
0x82: {  	_ =	shalt  }
0x83: {  	_ =	shalt  }
0x84: {  	_ =	shalt  }
0x85: {  	_ =	shalt  }
0x86: {  	_ =	shalt  }
0x87: {  	_ =	shalt  }
.Lfunc_end0:
.L_simem_size_0:
called_computation_lowered:
.L_overlay_start_0:
0x88: {  	s2 =	sld [smem:$0x3FD9]  }
0x89: {  	s3 =	sld [smem:$0x3FFE];
	_ =	sdelay $0x1  }
0x8a: {  	s1 =	srdreg.scid  }
0x8b: {  	s0 =	sand.u32 $0x1, s1  }
0x8c: {  	s17 =	sshll.u32 s0, $0xA;
	s2 =	sadd.s32 s3, s2  }
0x8d: {  	s2 =	sadd.s32 s2, s17  }
0x8e: {  	[smem:$0x3FC6] =	sst s2  }
0x8f: {  	_ = 	snop  }
0x90: {  	s2 =	sld [smem:$0x3FC9]  }
0x91: {  	s18 =	sld [smem:$0x3FC8]  }
0x92: {  	s4 =	sld [smem:$0x3FD0];
	(tm) =	ssettm $0x1  }
0x93: {  	s5 =	sld [smem:$0x3FFB];
	_ =	sdelay $0x3  }
0x94: {  	_ =	strace s5  }
0x95: {  	s5 =	sld [smem:$0x3FFC];
	_ =	sdelay $0x3  }
0x96: {  	_ =	strace s5  }
0x97: {  	s5 =	sld [smem:$0x3FFD];
	_ =	sdelay $0x3  }
0x98: {  	_ =	strace s5  }
0x99: {  	_ =	strace $0x8FFFFFFF  }
0x9a: {  	s19 =	sld [smem:$0x3FDB];
	_ =	sdelay $0x1  }
0x9b: {  	s6 =	simm.s32 $_scs_section_size  }
0x9c: {  	s7 =	simm.s32 $_size__tile_overlayer_lowered;
	s8 =	simm.s32 $_tile_overlayer_lowered  }
0x9d: {  	s22 =	simm.s32 $0x1BFF;
	s21 =	sshll.u32 s8, $0x1;
	s5 =	sadd.s32 s6, s19  }
0x9e: {  	s9 =	simm.s32 $0x0;
	s20 =	sshll.u32 s7, $0x1;
	s7 =	sadd.s32 s21, s5  }
0x9f: {  	[timem:s9], [sflag:s22] =	dma.local [hbm:s7], s20  }
0xa0: {  	_ =	swait.ge [sflag:s22], s20  }
0xa1: {  	s6 =	ssub.s32 $0x0, s20;
	[sflag:s22] =	ssyncset.done $0x0  }
0xa2: {  	[sflag:s22] =	ssyncadd.s32 s6;
	_ =	sdelay $0x1  }
0xa3: {  	s23 =	simm.s32 $0x1B8B  }
0xa4: {  	_ =	swait.ge [sflag:s23], $0x1  }
0xa5: {  	[sflag:s23] =	ssyncset.done $0x0  }
0xa6: {  	s25 =	simm.s32 $0x1B8E;
	s24 =	sld [smem:$0x3FFE];
	[sflag:s23] =	ssyncadd.s32 $0xFFFFFFFF  }
0xa7: {  	s26 =	simm.s32 $execute0_lowered;
	[smem:$0x3FD2] =	sst s25  }
0xa8: {  	s7 =	sshll.u32 s26, $0x1;
	_ =	strace $0x80000046;
	[dreg:$0x1] =	wrdreg $0xFFFFFFFF  }
0xa9: {  	s28 =	simm.s32 $_size_execute0_lowered;
	s5 =	sadd.s32 s5, s7;
	[dreg:$0x0] =	wrdreg $0x0  }
0xaa: {  	s7 =	sshll.u32 s28, $0x1;
	[dreg:$0x2] =	wrdreg s5  }
0xab: {  	[dreg:$0x3] =	wrdreg s7  }
0xac: {  	[dreg:$0x4] =	wrdreg $0xC0  }
0xad: {  	_ =	task [dreg:s9], $0x5FFFF  }
0xae: {  	[dreg:$0x1] =	wrdreg $0xFFFFFFFF  }
0xaf: {  	[dreg:$0x0] =	wrdreg $0x60  }
0xb0: {  	[dreg:$0x2] =	wrdreg s2  }
0xb1: {  	[dreg:$0x3] =	wrdreg s24  }
0xb2: {  	[dreg:$0x4] =	wrdreg s18  }
0xb3: {  	[dreg:$0x5] =	wrdreg s4  }
0xb4: {  	[dreg:$0x6] =	wrdreg $0x9  }
0xb5: {  	_ =	task.clear_ibuf [dreg:s9], $0x7FFFF;
	_ =	strace $0x90000046  }
0xb6: {  	s29 =	simm.s32 $0x9;
	_ =	strace $0x80000048  }
0xb7: {  	_ =	swait.ge [sflag:s29], $0x1  }
0xb8: {  	[sflag:s29] =	ssyncadd.s32 $0xFFFFFFFF  }
0xb9: {  	_ =	strace $0x90000048  }
0xba: {  	_ =	sfence  }
0xbb: {  	s30 =	sld [smem:$0x0];
	_ =	sdelay $0x2  }
0xbc: {  	s31 =	sshll.u32 s1, $0xD;
	s1 =	sshrl.u32 s1, $0x2  }
0xbd: {  	s3 =	sand.u32 $0x4000, s31;
	s1 =	sadd.s32 s1, s30  }
0xbe: {  	s0 =	sor.u32 s3, s0;
	s1 =	sshll.u32 s1, $0x11  }
0xbf: {  	s0 =	sor.u32 s1, s0  }
0xc0: {  	s0 =	sadd.s32 $0x8F2B, s0  }
0xc1: {  	[sflag:s0] =	ssyncadd.remote.s32 $0x1  }
0xc2: {  	_ =	sfence.sel $0xFFFF  }
0xc3: {  	[dreg:$0x0] =	wrdreg $0xFFFFFFFF;
	(pc) =	sbr.abs _section_cstart, $3  }
0xc4: {  	[dreg:$0x1] =	wrdreg $0xFFFFFFFF  }
0xc5: {  	_ =	task.clear_ibuf [dreg:s9], $0x2FFFF;
	_ =	strace $0x9FFFFFFF  }
0xc6: {  	(tm) =	ssettm $0x7FFFFFFF  }
0xc7: {  	_ =	shalt  }
tec
execute0_lowered:
.L_overlay_start_1:
0x0: {  	(tag) =	ssettag $0x1  }
0x1: {  	s1 =	rddreg [dreg:$0x0]  }
0x2: {  	s0 =	rddreg [dreg:$0x1]  }
0x3: {  	s2 =	rddreg [dreg:$0x2]  }
0x4: {  	s4 =	rddreg [dreg:$0x3]  }
0x5: {  	s5 =	simm.s32 $0x0;
	s3 =	srdreg.scid;
	s8 =	stileid.u32  }
0x6: {  	s12 =	simm.s32 $0x4;
	s14 =	simm.s32 $0x5;
	s15 =	simm.s32 $0x80  }
0x7: {  	s16 =	simm.s32 $0x480;
	s17 =	simm.s32 $0x2;
	s18 =	simm.s32 $0x3  }
0x8: {  	s19 =	simm.s32 $0x6880;
	s20 =	simm.s32 $0x13080;
	s21 =	simm.s32 $0x1  }
0x9: {  	s22 =	simm.s32 $0xCC80;
	s23 =	simm.s32 $0x0;
	[smem:$0x7FF] =	sst s5  }
0xa: {  	s3 =	sand.u32 $0x1, s3;
	s6 =	sshll.u32 s8, $0x1;
	s7 =	sadd.s32 $0x800, s0  }
.Ltmp0:
0xb: {  	p0 =	slt.u32 s8, $0xA;
	s8 =	simm.s32 $0x10;
	(pc) =	sbr.rel .LBB2_1-.Ltmp0, $4  }
0xc: {  	_ =	strace $0x80000047;
	s6 =	sor.u32 s3, s6;
	s30 =	ssub.s32 $0x2, s3  }
0xd: {  	s8 =	simm.s32 @!p0 $0xF;
	s31 =	smul.u32 $0xC80, s6;
	s9 =	sshrl.u32 s30, $0x1  }
0xe: {  	s12 =	simm.s32 @!p0 $0x3;
	s10 =	sor.u32 $0x20, s6;
	s0 =	ssub.s32 s30, s9  }
0xf: {  	s11 =	sadd.s32 $0xFFFFFFFE, s8;
	s9 =	sadd.s32 s1, s31;
	s13 =	smax.u32 s0, $0x1  }
.LBB2_10:
0x10: {  	s23 =	sadd.s32 $0x1, s23  }
0x11: {  	p0 =	sne.s32 s23, s13  }
.Ltmp1:
0x12: {  	_ = 	snop;
	(pc) =	sbr.rel @!p0 .LBB2_11-.Ltmp1, $4  }
0x13: {  	_ = 	snop  }
0x14: {  	_ =	swait.ge [sflag:s12], $0x6400  }
0x15: {  	[sflag:s12] =	ssyncset.done $0x0  }
0x16: {  	[sflag:s12] =	ssyncadd.s32 $0xFFFF9C00  }
.LBB2_1:
0x17: {  	[tilespmem:s5], [sflag:$0x5] =	stream.linear.gather [hbm4b:s2+s5], $0x80, $0x38;
	[tilespmem:$0x19480] =	vst v63  }
0x18: {  	_ =	swait.ge [sflag:s14], $0x80  }
0x19: {  	[sflag:s14] =	ssyncset.done $0x0  }
0x1a: {  	[sflag:s14] =	ssyncadd.s32 $0xFFFFFF80  }
0x1b: {  	[tilespmem:s15], [sflag:$0x5] =	stream.linear.gather [hbm4b:s7+s5], $0x400, $0x38;
	[tilespmem:$0x19480] =	vst v63  }
0x1c: {  	_ =	swait.ge [sflag:s14], $0x400  }
0x1d: {  	[sflag:s14] =	ssyncset.done $0x0  }
0x1e: {  	[sflag:s14] =	ssyncadd.s32 $0xFFFFFC00  }
0x1f: {  	v0 =	vld [tilespmem:$0x0]  }
0x20: {  	v1 =	vld [tilespmem:$0x10]  }
0x21: {  	v2 =	vld [tilespmem:$0x20]  }
0x22: {  	v3 =	vld [tilespmem:$0x30]  }
0x23: {  	v4 =	vld [tilespmem:$0x40]  }
0x24: {  	v5 =	vld [tilespmem:$0x50]  }
0x25: {  	v6 =	vld [tilespmem:$0x60]  }
0x26: {  	v7 =	vld [tilespmem:$0x70]  }
0x27: {  	v8 =	vld [tilespmem:$0x80]  }
0x28: {  	v9 =	vld [tilespmem:$0x90]  }
0x29: {  	v10 =	vld [tilespmem:$0xA0]  }
.Ltmp2:
0x2a: {  	v11 =	vld [tilespmem:$0xB0];
	(pc) =	sbr.rel .LBB2_2-.Ltmp2, $4  }
0x2b: {  	v12 =	vld [tilespmem:$0xC0]  }
0x2c: {  	v13 =	vld [tilespmem:$0xD0]  }
0x2d: {  	s24 =	simm.s32 $0x0;
	v14 =	vld [tilespmem:$0xE0]  }
0x2e: {  	v15 =	vld [tilespmem:$0xF0];
	[tilespmem:s16], [sflag:$0x1] =	stream.linear.gather [hbm4b:s9+s5], $0x6400, $0x38  }
.LBB2_9:
0x2f: {  	s24 =	sadd.s32 $0x1, s24  }
0x30: {  	p0 =	sne.s32 s24, s8  }
.Ltmp3:
0x31: {  	_ = 	snop;
	(pc) =	sbr.rel @!p0 .LBB2_10-.Ltmp3, $1  }
0x32: {  	_ =	sdelay $0x3  }
.LBB2_2:
0x33: {  	s28 =	sand.u32 $0x1, s24  }
0x34: {  	p0 =	seq.s32 s28, $0x1  }
.Ltmp4:
0x35: {  	_ = 	snop;
	(pc) =	sbr.rel @p0 .LBB2_6-.Ltmp4, $4  }
0x36: {  	_ = 	snop  }
0x37: {  	s26 =	sshll.u32 s24, $0x5  }
0x38: {  	s0 =	sor.u32 s6, s26  }
0x39: {  	s25 =	smul.u32 $0x6400, s0  }
0x3a: {  	_ =	swait.ge [sflag:s21], $0x6400  }
0x3b: {  	p0 =	seq.s32 s24, $0x0;
	[sflag:s21] =	ssyncset.done $0x0  }
0x3c: {  	s3 =	simm.s32 $0x80;
	s0 =	simm.s32 @!p0 $0x4;
	[sflag:s21] =	ssyncadd.s32 $0xFFFF9C00  }
0x3d: {  	p1 =	sgt.s32 s24, s11;
	v16 =	vadd.s32 s3, v6;
	_ =	swait.ge @!p0 [sflag:s0], $0x6400  }
0x3e: {  	s29 =	sshrl.u32 @!p1 s25, $0x3;
	[sflag:s0] =	ssyncset.done @!p0 $0x0  }
0x3f: {  	[sflag:s0] =	ssyncadd.s32 @!p0 $0xFFFF9C00;
	s0 =	sadd.s32 @!p1 s1, s29  }
0x40: {  	s30 =	simm.s32 @!p1 $0x6880;
	s29 =	simm.s32 @!p1 $0x0;
	s0 =	sadd.s32 @!p1 $0x19000, s0  }
0x41: {  	[tilespmem:s30], [sflag:$0x2] =	stream.linear.gather @!p1 [hbm4b:s0+s29], $0x6400, $0x38;
	[tilespmem:$0x19480] =	vst v63  }
0x42: {  	s0 =	simm.s32 $0x500;
	v16 =	vld.idx.msk [tilespmem:v16+s16+$0x0], $0xffff  }
0x43: {  	v17 =	vld [tilespmem:s0+$0x50]  }
0x44: {  	v18 =	vld [tilespmem:s0+$0x70]  }
0x45: {  	v19 =	vld [tilespmem:s0+$0x60]  }
0x46: {  	v20 =	vld [tilespmem:s0+$0xFFFFFFA0]  }
0x47: {  	v21 =	vld [tilespmem:s0+$0xFFFFFFB0]  }
0x48: {  	v22 =	vld [tilespmem:s0+$0xFFFFFFC0]  }
0x49: {  	v23 =	vld [tilespmem:s0+$0xFFFFFFD0]  }
0x4a: {  	v24 =	vld [tilespmem:s0+$0xFFFFFFE0]  }
0x4b: {  	v25 =	vld [tilespmem:s0+$0xFFFFFFF0]  }
0x4c: {  	v26 =	vld [tilespmem:s0+$0x0]  }
0x4d: {  	v27 =	vld [tilespmem:s0+$0x10]  }
0x4e: {  	v28 =	vadd.s32 s3, v0;
	v29 =	vld [tilespmem:s0+$0x20]  }
0x4f: {  	v30 =	vadd.s32 s3, v1;
	v31 =	vld [tilespmem:s0+$0x30]  }
0x50: {  	v34 =	vadd.s32 s3, v2;
	v33 =	vld [tilespmem:s0+$0x40]  }
0x51: {  	v36 =	vadd.s32 s3, v3;
	v35 =	vld [tilespmem:s0+$0xFFFFFF80]  }
0x52: {  	v38 =	vadd.s32 s3, v4;
	v37 =	vld [tilespmem:s0+$0xFFFFFF90]  }
0x53: {  	v39 =	vadd.s32 s3, v5;
	s29 =	simm.s32 $0x0;
	v28 =	vld.idx.msk [tilespmem:v28+s16+$0x0], $0xffff  }
0x54: {  	v32 =	vadd.s32 s29, v7;
	v30 =	vld.idx.msk [tilespmem:v30+s16+$0x0], $0xffff  }
0x55: {  	v41 =	vadd.s32 s29, v0;
	v34 =	vld.idx.msk [tilespmem:v34+s16+$0x0], $0xffff  }
0x56: {  	v40 =	vadd.s32 s3, v7;
	v36 =	vld.idx.msk [tilespmem:v36+s16+$0x0], $0xffff  }
0x57: {  	v43 =	vadd.s32 s29, v2;
	v38 =	vld.idx.msk [tilespmem:v38+s16+$0x0], $0xffff  }
0x58: {  	v42 =	vadd.s32 s29, v1;
	v39 =	vld.idx.msk [tilespmem:v39+s16+$0x0], $0xffff  }
0x59: {  	v44 =	vadd.s32 s29, v3;
	v32 =	vld.idx.msk [tilespmem:v32+s16+$0x0], $0xffff  }
0x5a: {  	v45 =	vadd.s32 s29, v4;
	v41 =	vld.idx.msk [tilespmem:v41+s16+$0x0], $0xffff  }
0x5b: {  	v40 =	vld.idx.msk [tilespmem:v40+s16+$0x0], $0xffff;
	v46 =	vadd.s32 s29, v5;
	v28 =	vmul.f32 $1.000000010e-01, v28;
	v30 =	vmul.f32 $1.000000010e-01, v30  }
0x5c: {  	v47 =	vadd.s32 s29, v6;
	v43 =	vld.idx.msk [tilespmem:v43+s16+$0x0], $0xffff;
	v16 =	vmul.f32 $1.000000010e-01, v16  }
0x5d: {  	v42 =	vld.idx.msk [tilespmem:v42+s16+$0x0], $0xffff;
	v26 =	vadd.f32 v26, v28;
	v27 =	vadd.f32 v27, v30;
	v30 =	vmul.f32 $1.000000010e-01, v36  }
0x5e: {  	v60 =	vld.idx.msk [tilespmem:v44+s16+$0x0], $0xffff;
	v16 =	vadd.f32 v19, v16;
	v32 =	vmul.f32 $1.000000010e-01, v32  }
0x5f: {  	v61 =	vld.idx.msk [tilespmem:v45+s16+$0x0], $0xffff;
	v26 =	vsub.f32 v26, v8;
	v30 =	vadd.f32 v31, v30;
	v31 =	vmul.f32 $1.000000010e-01, v41  }
0x60: {  	s29 =	simm.s32 $0xCD00;
	v62 =	vld.idx.msk [tilespmem:v46+s16+$0x0], $0xffff;
	v28 =	vmul.f32 $1.000000010e-01, v34;
	v27 =	vsub.f32 v27, v9;
	v25 =	vadd.f32 v25, v32  }
0x61: {  	v63 =	vld.idx.msk [tilespmem:v47+s16+$0x0], $0xffff;
	[tilespmem:s29+$0x0] =	vst v26;
	v26 =	vsub.f32 v30, v11;
	v30 =	vadd.f32 v35, v31;
	v31 =	vmul.f32 $1.000000010e-01, v43  }
0x62: {  	v28 =	vadd.f32 v29, v28;
	v29 =	vmul.f32 $1.000000010e-01, v38;
	v25 =	vsub.f32 v25, v15  }
0x63: {  	v16 =	vsub.f32 v16, v14;
	[tilespmem:s29+$0x10] =	vst v27;
	v20 =	vadd.f32 v20, v31  }
0x64: {  	[tilespmem:s29+$0xFFFFFFF0] =	vst v25;
	v25 =	vsub.f32 v28, v10;
	v28 =	vadd.f32 v33, v29;
	v29 =	vmul.f32 $1.000000010e-01, v42  }
0x65: {  	[tilespmem:s29+$0x60] =	vst v16;
	v20 =	vsub.f32 v20, v10  }
0x66: {  	[tilespmem:s29+$0x30] =	vst v26;
	v27 =	vsub.f32 v28, v12;
	v28 =	vadd.f32 v37, v29;
	v29 =	vmul.f32 $1.000000010e-01, v60  }
0x67: {  	[tilespmem:s29+$0x20] =	vst v25;
	v25 =	vsub.f32 v30, v8;
	v30 =	vmul.f32 $1.000000010e-01, v61  }
0x68: {  	[tilespmem:s29+$0xFFFFFFA0] =	vst v20;
	v20 =	vmul.f32 $1.000000010e-01, v40;
	v21 =	vadd.f32 v21, v29  }
0x69: {  	v26 =	vsub.f32 v28, v9;
	v28 =	vmul.f32 $1.000000010e-01, v62;
	[tilespmem:s29+$0x40] =	vst v27;
	v22 =	vadd.f32 v22, v30  }
0x6a: {  	v27 =	vmul.f32 $1.000000010e-01, v63;
	[tilespmem:s29+$0xFFFFFF80] =	vst v25;
	v18 =	vadd.f32 v18, v20;
	v21 =	vsub.f32 v21, v11  }
0x6b: {  	v25 =	vmul.f32 $1.000000010e-01, v39;
	v23 =	vadd.f32 v23, v28;
	[tilespmem:s29+$0xFFFFFF90] =	vst v26;
	v22 =	vsub.f32 v22, v12  }
0x6c: {  	s30 =	simm.s32 $0x180;
	v24 =	vadd.f32 v24, v27;
	v18 =	vsub.f32 v18, v15;
	[tilespmem:s29+$0xFFFFFFB0] =	vst v21  }
0x6d: {  	v19 =	vadd.s32 s30, v6;
	v17 =	vadd.f32 v17, v25;
	v23 =	vsub.f32 v23, v13;
	[tilespmem:s29+$0xFFFFFFC0] =	vst v22  }
0x6e: {  	v21 =	vsub.f32 v24, v14;
	[tilespmem:s29+$0x70] =	vst v18  }
0x6f: {  	v17 =	vsub.f32 v17, v13;
	[tilespmem:s29+$0xFFFFFFD0] =	vst v23  }
0x70: {  	[tilespmem:s29+$0xFFFFFFE0] =	vst v21  }
0x71: {  	[tilespmem:s29+$0x50] =	vst v17  }
0x72: {  	s31 =	simm.s32 $0x600;
	v17 =	vld.idx.msk [tilespmem:v19+s16+$0x0], $0xffff  }
0x73: {  	v22 =	vld [tilespmem:s31+$0x50]  }
0x74: {  	v20 =	vld [tilespmem:s31+$0x70]  }
0x75: {  	v16 =	vld [tilespmem:s31+$0x60]  }
0x76: {  	v24 =	vld [tilespmem:s31+$0xFFFFFFA0]  }
0x77: {  	v23 =	vld [tilespmem:s31+$0xFFFFFFB0]  }
0x78: {  	v21 =	vld [tilespmem:s31+$0xFFFFFFC0]  }
0x79: {  	v19 =	vld [tilespmem:s31+$0xFFFFFFD0]  }
0x7a: {  	v18 =	vld [tilespmem:s31+$0xFFFFFFE0]  }
0x7b: {  	v27 =	vld [tilespmem:s31+$0xFFFFFFF0]  }
0x7c: {  	v29 =	vld [tilespmem:s31+$0x0]  }
0x7d: {  	v28 =	vld [tilespmem:s31+$0x10]  }
0x7e: {  	v30 =	vadd.s32 s30, v0;
	v26 =	vld [tilespmem:s31+$0x20]  }
0x7f: {  	s3 =	simm.s32 $0x100;
	s0 =	simm.s32 $0x280;
	v31 =	vadd.s32 s30, v1;
	v25 =	vld [tilespmem:s31+$0x30]  }
.LBB2_4:
0x80: {  	p0 =	sne.s32 s0, $0x6380;
	v32 =	vadd.s32 s3, v7;
	v33 =	vld [tilespmem:s31+$0x40]  }
0x81: {  	v34 =	vadd.s32 s30, v2;
	v35 =	vld [tilespmem:s31+$0xFFFFFF80]  }
0x82: {  	v36 =	vadd.s32 s30, v3;
	v37 =	vld [tilespmem:s31+$0xFFFFFF90]  }
0x83: {  	v38 =	vadd.s32 s30, v4;
	v30 =	vld.idx.msk [tilespmem:v30+s16+$0x0], $0xffff  }
0x84: {  	v39 =	vadd.s32 s30, v5;
	v31 =	vld.idx.msk [tilespmem:v31+s16+$0x0], $0xffff  }
0x85: {  	v40 =	vadd.s32 s30, v7;
	s30 =	smov.u32 s0;
	v32 =	vld.idx.msk [tilespmem:v32+s16+$0x0], $0xffff  }
0x86: {  	v41 =	vadd.s32 s3, v0;
	v34 =	vld.idx.msk [tilespmem:v34+s16+$0x0], $0xffff  }
0x87: {  	v42 =	vadd.s32 s3, v1;
	v36 =	vld.idx.msk [tilespmem:v36+s16+$0x0], $0xffff  }
0x88: {  	v43 =	vadd.s32 s3, v2;
	v38 =	vld.idx.msk [tilespmem:v38+s16+$0x0], $0xffff  }
0x89: {  	v44 =	vadd.s32 s3, v3;
	v30 =	vmul.f32 $1.000000010e-01, v30;
	v39 =	vld.idx.msk [tilespmem:v39+s16+$0x0], $0xffff  }
0x8a: {  	v45 =	vadd.s32 s3, v4;
	v31 =	vmul.f32 $1.000000010e-01, v31;
	v40 =	vld.idx.msk [tilespmem:v40+s16+$0x0], $0xffff  }
0x8b: {  	v46 =	vadd.s32 s3, v5;
	v32 =	vmul.f32 $1.000000010e-01, v32;
	v29 =	vadd.f32 v29, v30;
	v41 =	vld.idx.msk [tilespmem:v41+s16+$0x0], $0xffff  }
0x8c: {  	v28 =	vadd.f32 v28, v31;
	v31 =	vmul.f32 $1.000000010e-01, v34;
	v30 =	vld.idx.msk [tilespmem:v42+s16+$0x0], $0xffff;
	v42 =	vadd.s32 s3, v6  }
0x8d: {  	v27 =	vadd.f32 v27, v32;
	v29 =	vsub.f32 v29, v8;
	v32 =	vmul.f32 $1.000000010e-01, v36;
	v34 =	vld.idx.msk [tilespmem:v43+s16+$0x0], $0xffff  }
0x8e: {  	v28 =	vsub.f32 v28, v9;
	v26 =	vadd.f32 v26, v31;
	v31 =	vmul.f32 $1.000000010e-01, v38;
	v36 =	vld.idx.msk [tilespmem:v44+s16+$0x0], $0xffff  }
0x8f: {  	v27 =	vsub.f32 v27, v15;
	v25 =	vadd.f32 v25, v32;
	v32 =	vmul.f32 $1.000000010e-01, v39;
	v38 =	vld.idx.msk [tilespmem:v45+s16+$0x0], $0xffff  }
0x90: {  	s29 =	sadd.s32 $0x100, s29;
	v26 =	vsub.f32 v26, v10;
	v31 =	vadd.f32 v33, v31;
	v33 =	vmul.f32 $1.000000010e-01, v40;
	v39 =	vld.idx.msk [tilespmem:v46+s16+$0x0], $0xffff  }
0x91: {  	v41 =	vmul.f32 $1.000000010e-01, v41;
	v25 =	vsub.f32 v25, v11;
	v22 =	vadd.f32 v22, v32;
	v40 =	vld.idx.msk [tilespmem:v42+s16+$0x0], $0xffff;
	[tilespmem:s29+$0xFFFFFFF0] =	vst v27  }
0x92: {  	v27 =	vmul.f32 $1.000000010e-01, v30;
	v30 =	vsub.f32 v31, v12;
	v20 =	vadd.f32 v20, v33;
	[tilespmem:s29+$0x0] =	vst v29  }
0x93: {  	v29 =	vadd.f32 v35, v41;
	v31 =	vmul.f32 $1.000000010e-01, v34;
	v22 =	vsub.f32 v22, v13;
	[tilespmem:s29+$0x10] =	vst v28  }
0x94: {  	v27 =	vadd.f32 v37, v27;
	v28 =	vmul.f32 $1.000000010e-01, v36;
	v20 =	vsub.f32 v20, v15;
	[tilespmem:s29+$0x20] =	vst v26  }
0x95: {  	v26 =	vsub.f32 v29, v8;
	v24 =	vadd.f32 v24, v31;
	v29 =	vmul.f32 $1.000000010e-01, v38;
	[tilespmem:s29+$0x30] =	vst v25  }
0x96: {  	v25 =	vsub.f32 v27, v9;
	v23 =	vadd.f32 v23, v28;
	v27 =	vmul.f32 $1.000000010e-01, v39;
	[tilespmem:s29+$0x40] =	vst v30  }
0x97: {  	v24 =	vsub.f32 v24, v10;
	v21 =	vadd.f32 v21, v29;
	v28 =	vmul.f32 $1.000000010e-01, v40;
	[tilespmem:s29+$0xFFFFFF80] =	vst v26  }
0x98: {  	v23 =	vsub.f32 v23, v11;
	v19 =	vadd.f32 v19, v27;
	[tilespmem:s29+$0xFFFFFF90] =	vst v25  }
0x99: {  	v17 =	vmul.f32 $1.000000010e-01, v17;
	v21 =	vsub.f32 v21, v12;
	v18 =	vadd.f32 v18, v28;
	[tilespmem:s29+$0xFFFFFFA0] =	vst v24  }
0x9a: {  	v19 =	vsub.f32 v19, v13;
	[tilespmem:s29+$0xFFFFFFB0] =	vst v23  }
0x9b: {  	v16 =	vadd.f32 v16, v17;
	v18 =	vsub.f32 v18, v14;
	[tilespmem:s29+$0xFFFFFFC0] =	vst v21  }
0x9c: {  	v17 =	vadd.s32 s0, v6;
	[tilespmem:s29+$0xFFFFFFD0] =	vst v19  }
0x9d: {  	v16 =	vsub.f32 v16, v14;
	[tilespmem:s29+$0xFFFFFFE0] =	vst v18  }
0x9e: {  	[tilespmem:s29+$0x50] =	vst v22  }
0x9f: {  	[tilespmem:s29+$0x60] =	vst v16  }
0xa0: {  	[tilespmem:s29+$0x70] =	vst v20  }
0xa1: {  	s31 =	sadd.s32 $0x100, s31;
	v17 =	vld.idx.msk [tilespmem:v17+s16+$0x0], $0xffff  }
0xa2: {  	v22 =	vld [tilespmem:s31+$0x50]  }
0xa3: {  	v20 =	vld [tilespmem:s31+$0x70]  }
0xa4: {  	v16 =	vld [tilespmem:s31+$0x60]  }
0xa5: {  	v24 =	vld [tilespmem:s31+$0xFFFFFFA0]  }
0xa6: {  	v23 =	vld [tilespmem:s31+$0xFFFFFFB0]  }
0xa7: {  	v21 =	vld [tilespmem:s31+$0xFFFFFFC0]  }
0xa8: {  	v19 =	vld [tilespmem:s31+$0xFFFFFFD0]  }
0xa9: {  	v18 =	vld [tilespmem:s31+$0xFFFFFFE0]  }
.Ltmp5:
0xaa: {  	v27 =	vld [tilespmem:s31+$0xFFFFFFF0];
	(pc) =	sbr.rel @p0 .LBB2_4-.Ltmp5, $4  }
0xab: {  	v29 =	vld [tilespmem:s31+$0x0]  }
0xac: {  	v28 =	vld [tilespmem:s31+$0x10]  }
0xad: {  	v30 =	vadd.s32 s0, v0;
	v26 =	vld [tilespmem:s31+$0x20]  }
0xae: {  	s3 =	sadd.s32 $0xFFFFFF80, s30;
	v31 =	vadd.s32 s30, v1;
	s0 =	sadd.s32 $0x100, s0;
	v25 =	vld [tilespmem:s31+$0x30]  }
0xaf: {  	_ = 	snop  }
0xb0: {  	v32 =	vadd.s32 s3, v7;
	v33 =	vld [tilespmem:s31+$0x40]  }
0xb1: {  	v34 =	vadd.s32 s30, v2;
	v35 =	vld [tilespmem:s31+$0xFFFFFF80]  }
0xb2: {  	v36 =	vadd.s32 s30, v3;
	v37 =	vld [tilespmem:s31+$0xFFFFFF90]  }
0xb3: {  	v30 =	vld.idx.msk [tilespmem:v30+s16+$0x0], $0xffff;
	v38 =	vadd.s32 s30, v4  }
0xb4: {  	v31 =	vld.idx.msk [tilespmem:v31+s16+$0x0], $0xffff;
	v39 =	vadd.s32 s30, v5  }
0xb5: {  	v40 =	vadd.s32 s30, v7;
	v32 =	vld.idx.msk [tilespmem:v32+s16+$0x0], $0xffff  }
0xb6: {  	v41 =	vadd.s32 s3, v0;
	v34 =	vld.idx.msk [tilespmem:v34+s16+$0x0], $0xffff  }
0xb7: {  	v42 =	vadd.s32 s3, v1;
	v36 =	vld.idx.msk [tilespmem:v36+s16+$0x0], $0xffff  }
0xb8: {  	v43 =	vadd.s32 s3, v2;
	v38 =	vld.idx.msk [tilespmem:v38+s16+$0x0], $0xffff  }
0xb9: {  	v44 =	vadd.s32 s3, v3;
	v39 =	vld.idx.msk [tilespmem:v39+s16+$0x0], $0xffff  }
0xba: {  	v45 =	vadd.s32 s3, v4;
	v40 =	vld.idx.msk [tilespmem:v40+s16+$0x0], $0xffff  }
0xbb: {  	v46 =	vadd.s32 s3, v5;
	v17 =	vmul.f32 $1.000000010e-01, v17;
	v41 =	vld.idx.msk [tilespmem:v41+s16+$0x0], $0xffff  }
0xbc: {  	v47 =	vadd.s32 s3, v6;
	v42 =	vld.idx.msk [tilespmem:v42+s16+$0x0], $0xffff;
	v30 =	vmul.f32 $1.000000010e-01, v30  }
0xbd: {  	v16 =	vadd.f32 v16, v17;
	v43 =	vld.idx.msk [tilespmem:v43+s16+$0x0], $0xffff;
	v31 =	vmul.f32 $1.000000010e-01, v31  }
0xbe: {  	v61 =	vld.idx.msk [tilespmem:v44+s16+$0x0], $0xffff;
	v29 =	vadd.f32 v29, v30;
	v32 =	vmul.f32 $1.000000010e-01, v32  }
0xbf: {  	v16 =	vsub.f32 v16, v14;
	v63 =	vld.idx.msk [tilespmem:v45+s16+$0x0], $0xffff;
	v28 =	vadd.f32 v28, v31;
	v62 =	vmul.f32 $1.000000010e-01, v34  }
0xc0: {  	s0 =	sadd.s32 $0x100, s29;
	v45 =	vld.idx.msk [tilespmem:v46+s16+$0x0], $0xffff;
	v29 =	vsub.f32 v29, v8;
	v44 =	vmul.f32 $1.000000010e-01, v36;
	v27 =	vadd.f32 v27, v32  }
0xc1: {  	v48 =	vld.idx.msk [tilespmem:v47+s16+$0x0], $0xffff;
	[tilespmem:s0+$0x60] =	vst v16;
	v28 =	vsub.f32 v28, v9;
	v49 =	vmul.f32 $1.000000010e-01, v41;
	v26 =	vadd.f32 v26, v62  }
0xc2: {  	v51 =	vmul.f32 $1.000000010e-01, v42;
	[tilespmem:s0+$0x0] =	vst v29;
	v25 =	vadd.f32 v25, v44;
	v27 =	vsub.f32 v27, v15  }
0xc3: {  	v53 =	vmul.f32 $1.000000010e-01, v43;
	[tilespmem:s0+$0x10] =	vst v28;
	v52 =	vadd.f32 v35, v49;
	v26 =	vsub.f32 v26, v10  }
0xc4: {  	v55 =	vmul.f32 $1.000000010e-01, v61;
	v54 =	vadd.f32 v37, v51;
	v25 =	vsub.f32 v25, v11;
	[tilespmem:s0+$0xFFFFFFF0] =	vst v27  }
0xc5: {  	v57 =	vmul.f32 $1.000000010e-01, v63;
	v24 =	vadd.f32 v24, v53;
	v56 =	vsub.f32 v52, v8;
	[tilespmem:s0+$0x20] =	vst v26  }
0xc6: {  	v59 =	vmul.f32 $1.000000010e-01, v45;
	v23 =	vadd.f32 v23, v55;
	v58 =	vsub.f32 v54, v9;
	[tilespmem:s0+$0x30] =	vst v25  }
0xc7: {  	v60 =	vmul.f32 $1.000000010e-01, v48;
	v21 =	vadd.f32 v21, v57;
	v24 =	vsub.f32 v24, v10;
	[tilespmem:s0+$0xFFFFFF80] =	vst v56  }
0xc8: {  	v61 =	vmul.f32 $1.000000010e-01, v39;
	v19 =	vadd.f32 v19, v59;
	v23 =	vsub.f32 v23, v11;
	[tilespmem:s0+$0xFFFFFF90] =	vst v58  }
0xc9: {  	v46 =	vmul.f32 $1.000000010e-01, v38;
	v18 =	vadd.f32 v18, v60;
	v21 =	vsub.f32 v21, v12;
	[tilespmem:s0+$0xFFFFFFA0] =	vst v24  }
0xca: {  	v62 =	vmul.f32 $1.000000010e-01, v40;
	v22 =	vadd.f32 v22, v61;
	v19 =	vsub.f32 v19, v13;
	[tilespmem:s0+$0xFFFFFFB0] =	vst v23  }
0xcb: {  	v50 =	vadd.f32 v33, v46;
	v18 =	vsub.f32 v18, v14;
	[tilespmem:s0+$0xFFFFFFC0] =	vst v21  }
0xcc: {  	p0 =	seq.s32 s28, $0x0;
	v17 =	vadd.f32 v20, v62;
	v63 =	vsub.f32 v22, v13;
	[tilespmem:s0+$0xFFFFFFD0] =	vst v19  }
.Ltmp6:
0xcd: {  	v27 =	vsub.f32 v50, v12;
	[tilespmem:s0+$0xFFFFFFE0] =	vst v18;
	(pc) =	sbr.rel @p0 .LBB2_9-.Ltmp6, $4  }
0xce: {  	v17 =	vsub.f32 v17, v15;
	[tilespmem:s0+$0x50] =	vst v63  }
0xcf: {  	s30 =	sshrl.u32 s25, $0x3;
	[tilespmem:s0+$0x40] =	vst v27  }
0xd0: {  	s31 =	sadd.s32 s4, s30;
	[tilespmem:s0+$0x70] =	vst v17  }
0xd1: {  	[hbm4b:s31+s5] =	stream.linear.scatter [tilespmem:s22], [sflag:$0x3], $0x6400, $0x38;
	[tilespmem:$0x19480] =	vst v63  }
.LBB2_6:
0xd2: {  	_ =	swait.ge [sflag:s17], $0x6400;
	p0 =	sgt.s32 s24, s11  }
0xd3: {  	s3 =	simm.s32 $0x80;
	[sflag:s17] =	ssyncset.done $0x0;
	s0 =	sadd.s32 @!p0 s10, s26  }
0xd4: {  	v16 =	vadd.s32 s3, v6;
	[sflag:s17] =	ssyncadd.s32 $0xFFFF9C00;
	s0 =	smul.u32 @!p0 $0x6400, s0  }
0xd5: {  	_ =	swait.ge [sflag:s18], $0x6400  }
0xd6: {  	s26 =	simm.s32 @!p0 $0x0;
	[sflag:s18] =	ssyncset.done $0x0;
	s0 =	sshrl.u32 @!p0 s0, $0x3  }
0xd7: {  	s28 =	simm.s32 @!p0 $0x480;
	[sflag:s18] =	ssyncadd.s32 $0xFFFF9C00;
	s0 =	sadd.s32 @!p0 s1, s0  }
0xd8: {  	[tilespmem:s28], [sflag:$0x1] =	stream.linear.gather @!p0 [hbm4b:s0+s26], $0x6400, $0x38;
	[tilespmem:$0x19480] =	vst v63  }
0xd9: {  	s30 =	simm.s32 $0x6900;
	v16 =	vld.idx.msk [tilespmem:v16+s19+$0x0], $0xffff  }
0xda: {  	v17 =	vld [tilespmem:s30+$0x50]  }
0xdb: {  	v18 =	vld [tilespmem:s30+$0x70]  }
0xdc: {  	v19 =	vld [tilespmem:s30+$0x60]  }
0xdd: {  	v20 =	vld [tilespmem:s30+$0xFFFFFFA0]  }
0xde: {  	v21 =	vld [tilespmem:s30+$0xFFFFFFB0]  }
0xdf: {  	v22 =	vld [tilespmem:s30+$0xFFFFFFC0]  }
0xe0: {  	v23 =	vld [tilespmem:s30+$0xFFFFFFD0]  }
0xe1: {  	v24 =	vld [tilespmem:s30+$0xFFFFFFE0]  }
0xe2: {  	v25 =	vld [tilespmem:s30+$0xFFFFFFF0]  }
0xe3: {  	v26 =	vld [tilespmem:s30+$0x0]  }
0xe4: {  	v27 =	vld [tilespmem:s30+$0x10]  }
0xe5: {  	v28 =	vadd.s32 s3, v0;
	v29 =	vld [tilespmem:s30+$0x20]  }
0xe6: {  	s31 =	simm.s32 $0x0;
	v30 =	vadd.s32 s3, v1;
	v31 =	vld [tilespmem:s30+$0x30]  }
0xe7: {  	v32 =	vadd.s32 s31, v7;
	v33 =	vld [tilespmem:s30+$0x40]  }
0xe8: {  	v34 =	vadd.s32 s3, v2;
	v35 =	vld [tilespmem:s30+$0xFFFFFF80]  }
0xe9: {  	v36 =	vadd.s32 s3, v3;
	v37 =	vld [tilespmem:s30+$0xFFFFFF90]  }
0xea: {  	v38 =	vadd.s32 s3, v4;
	v28 =	vld.idx.msk [tilespmem:v28+s19+$0x0], $0xffff  }
0xeb: {  	v39 =	vadd.s32 s3, v5;
	v30 =	vld.idx.msk [tilespmem:v30+s19+$0x0], $0xffff  }
0xec: {  	v40 =	vadd.s32 s3, v7;
	v32 =	vld.idx.msk [tilespmem:v32+s19+$0x0], $0xffff  }
0xed: {  	v41 =	vadd.s32 s31, v0;
	v34 =	vld.idx.msk [tilespmem:v34+s19+$0x0], $0xffff  }
0xee: {  	v42 =	vadd.s32 s31, v1;
	v36 =	vld.idx.msk [tilespmem:v36+s19+$0x0], $0xffff  }
0xef: {  	v43 =	vadd.s32 s31, v2;
	v38 =	vld.idx.msk [tilespmem:v38+s19+$0x0], $0xffff  }
0xf0: {  	v44 =	vadd.s32 s31, v3;
	v39 =	vld.idx.msk [tilespmem:v39+s19+$0x0], $0xffff  }
0xf1: {  	v45 =	vadd.s32 s31, v4;
	v40 =	vld.idx.msk [tilespmem:v40+s19+$0x0], $0xffff  }
0xf2: {  	v46 =	vadd.s32 s31, v5;
	v41 =	vld.idx.msk [tilespmem:v41+s19+$0x0], $0xffff;
	v32 =	vmul.f32 $1.000000010e-01, v32  }
0xf3: {  	v47 =	vadd.s32 s31, v6;
	v42 =	vld.idx.msk [tilespmem:v42+s19+$0x0], $0xffff;
	v28 =	vmul.f32 $1.000000010e-01, v28  }
0xf4: {  	v43 =	vld.idx.msk [tilespmem:v43+s19+$0x0], $0xffff;
	v30 =	vmul.f32 $1.000000010e-01, v30;
	v25 =	vadd.f32 v25, v32  }
0xf5: {  	v60 =	vld.idx.msk [tilespmem:v44+s19+$0x0], $0xffff;
	v16 =	vmul.f32 $1.000000010e-01, v16;
	v26 =	vadd.f32 v26, v28  }
0xf6: {  	v61 =	vld.idx.msk [tilespmem:v45+s19+$0x0], $0xffff;
	v28 =	vmul.f32 $1.000000010e-01, v34;
	v27 =	vadd.f32 v27, v30;
	v25 =	vsub.f32 v25, v15  }
0xf7: {  	s26 =	simm.s32 $0x13100;
	v62 =	vld.idx.msk [tilespmem:v46+s19+$0x0], $0xffff;
	v30 =	vmul.f32 $1.000000010e-01, v36;
	v16 =	vadd.f32 v19, v16;
	v26 =	vsub.f32 v26, v8  }
0xf8: {  	v63 =	vld.idx.msk [tilespmem:v47+s19+$0x0], $0xffff;
	v28 =	vadd.f32 v29, v28;
	v29 =	vmul.f32 $1.000000010e-01, v38;
	v27 =	vsub.f32 v27, v9;
	[tilespmem:s26+$0xFFFFFFF0] =	vst v25  }
0xf9: {  	v30 =	vadd.f32 v31, v30;
	v31 =	vmul.f32 $1.000000010e-01, v41;
	v16 =	vsub.f32 v16, v14;
	[tilespmem:s26+$0x0] =	vst v26  }
0xfa: {  	v25 =	vsub.f32 v28, v10;
	v28 =	vadd.f32 v33, v29;
	v29 =	vmul.f32 $1.000000010e-01, v42;
	[tilespmem:s26+$0x10] =	vst v27  }
0xfb: {  	v26 =	vsub.f32 v30, v11;
	v30 =	vadd.f32 v35, v31;
	v31 =	vmul.f32 $1.000000010e-01, v43;
	[tilespmem:s26+$0x60] =	vst v16  }
0xfc: {  	v27 =	vsub.f32 v28, v12;
	v28 =	vadd.f32 v37, v29;
	v29 =	vmul.f32 $1.000000010e-01, v60;
	[tilespmem:s26+$0x20] =	vst v25  }
0xfd: {  	v25 =	vsub.f32 v30, v8;
	v20 =	vadd.f32 v20, v31;
	v30 =	vmul.f32 $1.000000010e-01, v61;
	[tilespmem:s26+$0x30] =	vst v26  }
0xfe: {  	v26 =	vsub.f32 v28, v9;
	v21 =	vadd.f32 v21, v29;
	v28 =	vmul.f32 $1.000000010e-01, v62;
	[tilespmem:s26+$0x40] =	vst v27  }
0xff: {  	v20 =	vsub.f32 v20, v10;
	v22 =	vadd.f32 v22, v30;
	v27 =	vmul.f32 $1.000000010e-01, v63;
	[tilespmem:s26+$0xFFFFFF80] =	vst v25  }
0x100: {  	v25 =	vmul.f32 $1.000000010e-01, v39;
	v21 =	vsub.f32 v21, v11;
	v23 =	vadd.f32 v23, v28;
	[tilespmem:s26+$0xFFFFFF90] =	vst v26  }
0x101: {  	v22 =	vsub.f32 v22, v12;
	v24 =	vadd.f32 v24, v27;
	[tilespmem:s26+$0xFFFFFFA0] =	vst v20;
	v20 =	vmul.f32 $1.000000010e-01, v40  }
0x102: {  	s28 =	simm.s32 $0x180;
	v17 =	vadd.f32 v17, v25;
	v23 =	vsub.f32 v23, v13;
	[tilespmem:s26+$0xFFFFFFB0] =	vst v21  }
0x103: {  	v19 =	vadd.s32 s28, v6;
	v21 =	vsub.f32 v24, v14;
	[tilespmem:s26+$0xFFFFFFC0] =	vst v22;
	v18 =	vadd.f32 v18, v20  }
0x104: {  	v17 =	vsub.f32 v17, v13;
	[tilespmem:s26+$0xFFFFFFD0] =	vst v23  }
0x105: {  	[tilespmem:s26+$0xFFFFFFE0] =	vst v21;
	v18 =	vsub.f32 v18, v15  }
0x106: {  	[tilespmem:s26+$0x50] =	vst v17  }
0x107: {  	[tilespmem:s26+$0x70] =	vst v18  }
0x108: {  	s29 =	simm.s32 $0x6A00;
	v17 =	vld.idx.msk [tilespmem:v19+s19+$0x0], $0xffff  }
0x109: {  	v22 =	vld [tilespmem:s29+$0x50]  }
0x10a: {  	v20 =	vld [tilespmem:s29+$0x70]  }
0x10b: {  	v16 =	vld [tilespmem:s29+$0x60]  }
0x10c: {  	v24 =	vld [tilespmem:s29+$0xFFFFFFA0]  }
0x10d: {  	v23 =	vld [tilespmem:s29+$0xFFFFFFB0]  }
0x10e: {  	v21 =	vld [tilespmem:s29+$0xFFFFFFC0]  }
0x10f: {  	v19 =	vld [tilespmem:s29+$0xFFFFFFD0]  }
0x110: {  	v18 =	vld [tilespmem:s29+$0xFFFFFFE0]  }
0x111: {  	v27 =	vld [tilespmem:s29+$0xFFFFFFF0]  }
0x112: {  	v29 =	vld [tilespmem:s29+$0x0]  }
0x113: {  	v28 =	vld [tilespmem:s29+$0x10]  }
0x114: {  	v30 =	vadd.s32 s28, v0;
	v26 =	vld [tilespmem:s29+$0x20]  }
0x115: {  	s3 =	simm.s32 $0x100;
	s0 =	simm.s32 $0x280;
	v31 =	vadd.s32 s28, v1;
	v25 =	vld [tilespmem:s29+$0x30]  }
.LBB2_7:
0x116: {  	p0 =	sne.s32 s0, $0x6380;
	v32 =	vadd.s32 s3, v7;
	v33 =	vld [tilespmem:s29+$0x40]  }
0x117: {  	v34 =	vadd.s32 s28, v2;
	v35 =	vld [tilespmem:s29+$0xFFFFFF80]  }
0x118: {  	v36 =	vadd.s32 s28, v3;
	v37 =	vld [tilespmem:s29+$0xFFFFFF90]  }
0x119: {  	v38 =	vadd.s32 s28, v4;
	v30 =	vld.idx.msk [tilespmem:v30+s19+$0x0], $0xffff  }
0x11a: {  	v39 =	vadd.s32 s28, v5;
	v31 =	vld.idx.msk [tilespmem:v31+s19+$0x0], $0xffff  }
0x11b: {  	v40 =	vadd.s32 s28, v7;
	s28 =	smov.u32 s0;
	v32 =	vld.idx.msk [tilespmem:v32+s19+$0x0], $0xffff  }
0x11c: {  	v41 =	vadd.s32 s3, v0;
	v34 =	vld.idx.msk [tilespmem:v34+s19+$0x0], $0xffff  }
0x11d: {  	v42 =	vadd.s32 s3, v1;
	v36 =	vld.idx.msk [tilespmem:v36+s19+$0x0], $0xffff  }
0x11e: {  	v43 =	vadd.s32 s3, v2;
	v38 =	vld.idx.msk [tilespmem:v38+s19+$0x0], $0xffff  }
0x11f: {  	v44 =	vadd.s32 s3, v3;
	v30 =	vmul.f32 $1.000000010e-01, v30;
	v39 =	vld.idx.msk [tilespmem:v39+s19+$0x0], $0xffff  }
0x120: {  	v45 =	vadd.s32 s3, v4;
	v31 =	vmul.f32 $1.000000010e-01, v31;
	v40 =	vld.idx.msk [tilespmem:v40+s19+$0x0], $0xffff  }
0x121: {  	v46 =	vadd.s32 s3, v5;
	v32 =	vmul.f32 $1.000000010e-01, v32;
	v29 =	vadd.f32 v29, v30;
	v41 =	vld.idx.msk [tilespmem:v41+s19+$0x0], $0xffff  }
0x122: {  	v28 =	vadd.f32 v28, v31;
	v31 =	vmul.f32 $1.000000010e-01, v34;
	v30 =	vld.idx.msk [tilespmem:v42+s19+$0x0], $0xffff;
	v42 =	vadd.s32 s3, v6  }
0x123: {  	v27 =	vadd.f32 v27, v32;
	v29 =	vsub.f32 v29, v8;
	v32 =	vmul.f32 $1.000000010e-01, v36;
	v34 =	vld.idx.msk [tilespmem:v43+s19+$0x0], $0xffff  }
0x124: {  	v28 =	vsub.f32 v28, v9;
	v26 =	vadd.f32 v26, v31;
	v31 =	vmul.f32 $1.000000010e-01, v38;
	v36 =	vld.idx.msk [tilespmem:v44+s19+$0x0], $0xffff  }
0x125: {  	v27 =	vsub.f32 v27, v15;
	v25 =	vadd.f32 v25, v32;
	v32 =	vmul.f32 $1.000000010e-01, v39;
	v38 =	vld.idx.msk [tilespmem:v45+s19+$0x0], $0xffff  }
0x126: {  	s26 =	sadd.s32 $0x100, s26;
	v26 =	vsub.f32 v26, v10;
	v31 =	vadd.f32 v33, v31;
	v33 =	vmul.f32 $1.000000010e-01, v40;
	v39 =	vld.idx.msk [tilespmem:v46+s19+$0x0], $0xffff  }
0x127: {  	v41 =	vmul.f32 $1.000000010e-01, v41;
	v25 =	vsub.f32 v25, v11;
	v22 =	vadd.f32 v22, v32;
	v40 =	vld.idx.msk [tilespmem:v42+s19+$0x0], $0xffff;
	[tilespmem:s26+$0xFFFFFFF0] =	vst v27  }
0x128: {  	v27 =	vmul.f32 $1.000000010e-01, v30;
	v30 =	vsub.f32 v31, v12;
	v20 =	vadd.f32 v20, v33;
	[tilespmem:s26+$0x0] =	vst v29  }
0x129: {  	v29 =	vadd.f32 v35, v41;
	v31 =	vmul.f32 $1.000000010e-01, v34;
	v22 =	vsub.f32 v22, v13;
	[tilespmem:s26+$0x10] =	vst v28  }
0x12a: {  	v27 =	vadd.f32 v37, v27;
	v28 =	vmul.f32 $1.000000010e-01, v36;
	v20 =	vsub.f32 v20, v15;
	[tilespmem:s26+$0x20] =	vst v26  }
0x12b: {  	v26 =	vsub.f32 v29, v8;
	v24 =	vadd.f32 v24, v31;
	v29 =	vmul.f32 $1.000000010e-01, v38;
	[tilespmem:s26+$0x30] =	vst v25  }
0x12c: {  	v25 =	vsub.f32 v27, v9;
	v23 =	vadd.f32 v23, v28;
	v27 =	vmul.f32 $1.000000010e-01, v39;
	[tilespmem:s26+$0x40] =	vst v30  }
0x12d: {  	v24 =	vsub.f32 v24, v10;
	v21 =	vadd.f32 v21, v29;
	v28 =	vmul.f32 $1.000000010e-01, v40;
	[tilespmem:s26+$0xFFFFFF80] =	vst v26  }
0x12e: {  	v23 =	vsub.f32 v23, v11;
	v19 =	vadd.f32 v19, v27;
	[tilespmem:s26+$0xFFFFFF90] =	vst v25  }
0x12f: {  	v17 =	vmul.f32 $1.000000010e-01, v17;
	v21 =	vsub.f32 v21, v12;
	v18 =	vadd.f32 v18, v28;
	[tilespmem:s26+$0xFFFFFFA0] =	vst v24  }
0x130: {  	v19 =	vsub.f32 v19, v13;
	[tilespmem:s26+$0xFFFFFFB0] =	vst v23  }
0x131: {  	v16 =	vadd.f32 v16, v17;
	v18 =	vsub.f32 v18, v14;
	[tilespmem:s26+$0xFFFFFFC0] =	vst v21  }
0x132: {  	v17 =	vadd.s32 s0, v6;
	[tilespmem:s26+$0xFFFFFFD0] =	vst v19  }
0x133: {  	v16 =	vsub.f32 v16, v14;
	[tilespmem:s26+$0xFFFFFFE0] =	vst v18  }
0x134: {  	[tilespmem:s26+$0x50] =	vst v22  }
0x135: {  	[tilespmem:s26+$0x60] =	vst v16  }
0x136: {  	[tilespmem:s26+$0x70] =	vst v20  }
0x137: {  	s29 =	sadd.s32 $0x100, s29;
	v17 =	vld.idx.msk [tilespmem:v17+s19+$0x0], $0xffff  }
0x138: {  	v22 =	vld [tilespmem:s29+$0x50]  }
0x139: {  	v20 =	vld [tilespmem:s29+$0x70]  }
0x13a: {  	v16 =	vld [tilespmem:s29+$0x60]  }
0x13b: {  	v24 =	vld [tilespmem:s29+$0xFFFFFFA0]  }
0x13c: {  	v23 =	vld [tilespmem:s29+$0xFFFFFFB0]  }
0x13d: {  	v21 =	vld [tilespmem:s29+$0xFFFFFFC0]  }
0x13e: {  	v19 =	vld [tilespmem:s29+$0xFFFFFFD0]  }
0x13f: {  	v18 =	vld [tilespmem:s29+$0xFFFFFFE0]  }
.Ltmp7:
0x140: {  	v27 =	vld [tilespmem:s29+$0xFFFFFFF0];
	(pc) =	sbr.rel @p0 .LBB2_7-.Ltmp7, $4  }
0x141: {  	v29 =	vld [tilespmem:s29+$0x0]  }
0x142: {  	v28 =	vld [tilespmem:s29+$0x10]  }
0x143: {  	v30 =	vadd.s32 s0, v0;
	v26 =	vld [tilespmem:s29+$0x20]  }
0x144: {  	s3 =	sadd.s32 $0xFFFFFF80, s28;
	v31 =	vadd.s32 s28, v1;
	s0 =	sadd.s32 $0x100, s0;
	v25 =	vld [tilespmem:s29+$0x30]  }
0x145: {  	_ = 	snop  }
0x146: {  	v32 =	vadd.s32 s3, v7;
	v33 =	vld [tilespmem:s29+$0x40]  }
0x147: {  	v34 =	vadd.s32 s28, v2;
	v35 =	vld [tilespmem:s29+$0xFFFFFF80]  }
0x148: {  	v36 =	vadd.s32 s28, v3;
	v37 =	vld [tilespmem:s29+$0xFFFFFF90]  }
0x149: {  	v30 =	vld.idx.msk [tilespmem:v30+s19+$0x0], $0xffff;
	v38 =	vadd.s32 s28, v4  }
0x14a: {  	v31 =	vld.idx.msk [tilespmem:v31+s19+$0x0], $0xffff;
	v39 =	vadd.s32 s28, v5  }
0x14b: {  	v40 =	vadd.s32 s28, v7;
	v32 =	vld.idx.msk [tilespmem:v32+s19+$0x0], $0xffff  }
0x14c: {  	v41 =	vadd.s32 s3, v0;
	v34 =	vld.idx.msk [tilespmem:v34+s19+$0x0], $0xffff  }
0x14d: {  	v42 =	vadd.s32 s3, v1;
	v36 =	vld.idx.msk [tilespmem:v36+s19+$0x0], $0xffff  }
0x14e: {  	v43 =	vadd.s32 s3, v2;
	v38 =	vld.idx.msk [tilespmem:v38+s19+$0x0], $0xffff  }
0x14f: {  	v44 =	vadd.s32 s3, v3;
	v39 =	vld.idx.msk [tilespmem:v39+s19+$0x0], $0xffff  }
0x150: {  	v45 =	vadd.s32 s3, v4;
	v40 =	vld.idx.msk [tilespmem:v40+s19+$0x0], $0xffff  }
0x151: {  	v46 =	vadd.s32 s3, v5;
	v17 =	vmul.f32 $1.000000010e-01, v17;
	v41 =	vld.idx.msk [tilespmem:v41+s19+$0x0], $0xffff  }
0x152: {  	v47 =	vadd.s32 s3, v6;
	v42 =	vld.idx.msk [tilespmem:v42+s19+$0x0], $0xffff;
	v30 =	vmul.f32 $1.000000010e-01, v30  }
0x153: {  	v16 =	vadd.f32 v16, v17;
	v43 =	vld.idx.msk [tilespmem:v43+s19+$0x0], $0xffff;
	v31 =	vmul.f32 $1.000000010e-01, v31  }
0x154: {  	v61 =	vld.idx.msk [tilespmem:v44+s19+$0x0], $0xffff;
	v29 =	vadd.f32 v29, v30;
	v32 =	vmul.f32 $1.000000010e-01, v32  }
0x155: {  	v16 =	vsub.f32 v16, v14;
	v63 =	vld.idx.msk [tilespmem:v45+s19+$0x0], $0xffff;
	v28 =	vadd.f32 v28, v31;
	v62 =	vmul.f32 $1.000000010e-01, v34  }
0x156: {  	s0 =	sadd.s32 $0x100, s26;
	v45 =	vld.idx.msk [tilespmem:v46+s19+$0x0], $0xffff;
	v29 =	vsub.f32 v29, v8;
	v44 =	vmul.f32 $1.000000010e-01, v36;
	v27 =	vadd.f32 v27, v32  }
0x157: {  	v48 =	vld.idx.msk [tilespmem:v47+s19+$0x0], $0xffff;
	[tilespmem:s0+$0x60] =	vst v16;
	v28 =	vsub.f32 v28, v9;
	v49 =	vmul.f32 $1.000000010e-01, v41;
	v26 =	vadd.f32 v26, v62  }
0x158: {  	v51 =	vmul.f32 $1.000000010e-01, v42;
	[tilespmem:s0+$0x0] =	vst v29;
	v25 =	vadd.f32 v25, v44;
	v27 =	vsub.f32 v27, v15  }
0x159: {  	v53 =	vmul.f32 $1.000000010e-01, v43;
	[tilespmem:s0+$0x10] =	vst v28;
	v52 =	vadd.f32 v35, v49;
	v26 =	vsub.f32 v26, v10  }
0x15a: {  	v55 =	vmul.f32 $1.000000010e-01, v61;
	v54 =	vadd.f32 v37, v51;
	v25 =	vsub.f32 v25, v11;
	[tilespmem:s0+$0xFFFFFFF0] =	vst v27  }
0x15b: {  	v57 =	vmul.f32 $1.000000010e-01, v63;
	v24 =	vadd.f32 v24, v53;
	v56 =	vsub.f32 v52, v8;
	[tilespmem:s0+$0x20] =	vst v26  }
0x15c: {  	v59 =	vmul.f32 $1.000000010e-01, v45;
	v23 =	vadd.f32 v23, v55;
	v58 =	vsub.f32 v54, v9;
	[tilespmem:s0+$0x30] =	vst v25  }
0x15d: {  	v60 =	vmul.f32 $1.000000010e-01, v48;
	v21 =	vadd.f32 v21, v57;
	v24 =	vsub.f32 v24, v10;
	[tilespmem:s0+$0xFFFFFF80] =	vst v56  }
0x15e: {  	v61 =	vmul.f32 $1.000000010e-01, v39;
	v19 =	vadd.f32 v19, v59;
	v23 =	vsub.f32 v23, v11;
	[tilespmem:s0+$0xFFFFFF90] =	vst v58  }
0x15f: {  	v46 =	vmul.f32 $1.000000010e-01, v38;
	v18 =	vadd.f32 v18, v60;
	v21 =	vsub.f32 v21, v12;
	[tilespmem:s0+$0xFFFFFFA0] =	vst v24  }
0x160: {  	v62 =	vmul.f32 $1.000000010e-01, v40;
	v22 =	vadd.f32 v22, v61;
	v19 =	vsub.f32 v19, v13;
	[tilespmem:s0+$0xFFFFFFB0] =	vst v23  }
0x161: {  	v50 =	vadd.f32 v33, v46;
	v18 =	vsub.f32 v18, v14;
	[tilespmem:s0+$0xFFFFFFC0] =	vst v21  }
0x162: {  	v17 =	vadd.f32 v20, v62;
	v63 =	vsub.f32 v22, v13;
	[tilespmem:s0+$0xFFFFFFD0] =	vst v19  }
.Ltmp8:
0x163: {  	v27 =	vsub.f32 v50, v12;
	[tilespmem:s0+$0xFFFFFFE0] =	vst v18;
	(pc) =	sbr.rel .LBB2_9-.Ltmp8, $4  }
0x164: {  	v17 =	vsub.f32 v17, v15;
	[tilespmem:s0+$0x50] =	vst v63  }
0x165: {  	s30 =	sshrl.u32 s25, $0x3;
	[tilespmem:s0+$0x40] =	vst v27  }
0x166: {  	s31 =	sadd.s32 s4, s30;
	[tilespmem:s0+$0x70] =	vst v17  }
0x167: {  	[hbm4b:s31+s5] =	stream.linear.scatter [tilespmem:s20], [sflag:$0x4], $0x6400, $0x38;
	[tilespmem:$0x19480] =	vst v63  }
.LBB2_11:
0x168: {  	_ =	sfence.sel $0x180000  }
0x169: {  	[bflag:$0x0] =	sbarrier.arrive $0xFFFF  }
0x16a: {  	_ =	strace $0x90000047  }
0x16b: {  	s0 =	stileid.u32;
	[bflag:$0x2] =	sbarrier.arrive $0xFFFF  }
0x16c: {  	p0 =	sne.s32 s0, $0x0;
	s0 =	rddreg [dreg:$0x4]  }
0x16d: {  	s0 =	sadd.s32 @!p0 $0x100000, s0  }
0x16e: {  	[sflag:s0] =	ssyncadd.tile.s32 @!p0 $0x1;
	_ =	shalt  }
.Lfunc_end2:
_tile_overlayer_lowered:
.L_overlay_start_2:
0x16f: {  	(tag) =	ssettag $0x2  }
0x170: {  	s0 =	rddreg [dreg:$0x0];
	s2 =	stileid.u32  }
0x171: {  	s1 =	rddreg [dreg:$0x1];
	p0 =	sne.s32 s2, $0x0  }
0x172: {  	s3 =	rddreg [dreg:$0x2];
	[bflag:$0x3] =	sbarrier.arrive $0xFFFF;
	s2 =	simm.s32 @!p0 $0x1C05  }
0x173: {  	[timem:s3], [sflag:s2] =	dma.local @!p0 [hbm:s0], s1  }
0x174: {  	s0 =	simm.s32 @!p0 $0x5  }
0x175: {  	_ =	swait.ge @!p0 [sflag:s0], s1  }
0x176: {  	s1 =	ssub.s32 @!p0 $0x0, s1;
	[sflag:s0] =	ssyncset.done @!p0 $0x0  }
0x177: {  	[sflag:s0] =	ssyncadd.s32 @!p0 s1  }
0x178: {  	[bflag:$0x3] =	sbarrier.arrive $0xFFFF  }
0x179: {  	_ =	shalt  }

</sc_bundles>
